<compile_context>
chip_gen: v7x
topology: tpu7x:2x2x1
jax: 0.10.2.dev20260603
libtpu: 0.0.44.dev20260713+nightly
codegen_flags: <defaults>
</compile_context>

<pallas_src>
import functools

import jax
import jax.numpy as jnp
from jax import lax
from jax.experimental import pallas as pl
from jax.experimental.pallas import tpu as pltpu
from jax.experimental.pallas import tpu_sc as plsc

_B = 16384
_NC = 2
_NS = 16
_NW = _NC * _NS
_BPW = _B // _NW
_L = 16
_NCH = 4
_CH = _BPW // _NCH

_mesh = plsc.VectorSubcoreMesh(core_axis_name="c", subcore_axis_name="s")


@functools.partial(
    pl.kernel,
    mesh=_mesh,
    out_type=jax.ShapeDtypeStruct((_B,), jnp.float32),
    scratch_types=[
        pltpu.VMEM((_BPW,), jnp.int32),
        pltpu.VMEM((_BPW,), jnp.float32),
        pltpu.VMEM((_BPW,), jnp.float32),
    ]
    + [pltpu.SemaphoreType.DMA] * (2 * _NCH + 2),
)
def _sc_mul_gather(loss_hbm, labels_hbm, weights_hbm, out_hbm,
                   idx_v, w_v, loss_v, *sems):
    lab_sems, g_sems = sems[:_NCH], sems[_NCH:2 * _NCH]
    loss_sem, out_sem = sems[2 * _NCH], sems[2 * _NCH + 1]
    wid = lax.axis_index("c") * _NS + lax.axis_index("s")
    base = wid * _BPW

    lab_cp = [
        pltpu.async_copy(
            labels_hbm.at[pl.ds(base + j * _CH, _CH)],
            idx_v.at[pl.ds(j * _CH, _CH)], lab_sems[j])
        for j in range(_NCH)
    ]
    loss_cp = pltpu.async_copy(loss_hbm.at[pl.ds(base, _BPW)], loss_v, loss_sem)
    g_cp = []
    for j in range(_NCH):
        lab_cp[j].wait()
        g_cp.append(pltpu.async_copy(
            weights_hbm.at[idx_v.at[pl.ds(j * _CH, _CH)]],
            w_v.at[pl.ds(j * _CH, _CH)], g_sems[j]))
    loss_cp.wait()
    out_cp = []
    for j in range(_NCH):
        g_cp[j].wait()
        for i in range(_CH // _L):
            sl = pl.ds(j * _CH + i * _L, _L)
            loss_v[sl] = loss_v[sl] * w_v[sl]
        out_cp.append(pltpu.async_copy(
            loss_v.at[pl.ds(j * _CH, _CH)],
            out_hbm.at[pl.ds(base + j * _CH, _CH)], out_sem))
    for cp in out_cp:
        cp.wait()


def kernel(loss, labels, weights):
    return _sc_mul_gather(loss, labels.astype(jnp.int32), weights)

# --- scband reference (transcript-rebuilt; emitter-appended) ---
"""Pipeline reference for scband-weight-attachment-64295660421559 (READ-ONLY COPY).

The authoritative reference and input builder live on the scoring server;
editing this copy changes nothing except your own understanding.
"""

import jax, jax.numpy as jnp
import numpy as np

NUM_CLASSES = 100000
BATCH = 16384

def setup_inputs(seed: int = 0) -> dict:
    key = jax.random.key(seed)
    k1, k2 = jax.random.split(key)
    loss = jax.random.normal(k1, (BATCH,), dtype=jnp.float32)
    labels = jax.random.randint(k2, (BATCH,), 0, NUM_CLASSES, dtype=jnp.int64 if jax.config.jax_enable_x64 else jnp.int32)
    weights = jnp.ones((NUM_CLASSES,), dtype=jnp.float32)
    return {"loss": loss, "labels": labels, "weights": weights}

def reference(loss, labels, weights):
    # Faithful translation of: loss * self.weights[labels]
    w = jnp.take(weights, labels, axis=0)
    return loss * w

if __name__ == "__main__":
    import jax
    _d = setup_inputs()
    print(jax.jit(kernel)(*tuple(_d.values())))

</pallas_src>

<mosaic_0001>
#map = affine_map<(d0, d1) -> (0)>
module attributes {stable_mosaic.version = 14 : i64} {
  func.func @_sc_mul_gather(%arg0: i32, %arg1: i32, %arg2: memref<16384xf32, #tpu.memory_space<hbm>>, %arg3: memref<16384xi32, #tpu.memory_space<hbm>>, %arg4: memref<100000xf32, #tpu.memory_space<hbm>>, %arg5: memref<16384xf32, #tpu.memory_space<hbm>>, %arg6: memref<512xi32, #tpu.memory_space<vmem>>, %arg7: memref<512xf32, #tpu.memory_space<vmem>>, %arg8: memref<512xf32, #tpu.memory_space<vmem>>, %arg9: memref<!tpu.dma_semaphore, #tpu.memory_space<semaphore_mem>>, %arg10: memref<!tpu.dma_semaphore, #tpu.memory_space<semaphore_mem>>, %arg11: memref<!tpu.dma_semaphore, #tpu.memory_space<semaphore_mem>>, %arg12: memref<!tpu.dma_semaphore, #tpu.memory_space<semaphore_mem>>, %arg13: memref<!tpu.dma_semaphore, #tpu.memory_space<semaphore_mem>>, %arg14: memref<!tpu.dma_semaphore, #tpu.memory_space<semaphore_mem>>, %arg15: memref<!tpu.dma_semaphore, #tpu.memory_space<semaphore_mem>>, %arg16: memref<!tpu.dma_semaphore, #tpu.memory_space<semaphore_mem>>, %arg17: memref<!tpu.dma_semaphore, #tpu.memory_space<semaphore_mem>>, %arg18: memref<!tpu.dma_semaphore, #tpu.memory_space<semaphore_mem>>) attributes {dimension_semantics = [#tpu.dimension_semantics<core_parallel>, #tpu.dimension_semantics<subcore_parallel>], iteration_bounds = array<i64: 2, 16>, scalar_prefetch = 0 : i64, scratch_operands = 13 : i64, tpu.core_type = #tpu.core_type<sc_vector_subcore>, window_params = [{transform_indices = #map}, {transform_indices = #map}, {transform_indices = #map}, {transform_indices = #map}]} {
    %mul3A = arith.constant 16 : i32
    %mul3A_0 = arith.muli %arg0, %mul3A : i32
    %add3A = arith.addi %mul3A_0, %arg1 : i32
    %mul3A_1 = arith.constant 512 : i32
    %mul3A_2 = arith.muli %add3A, %mul3A_1 : i32
    %add3A_3 = arith.constant 0 : i32
    %add3A_4 = arith.addi %mul3A_2, %add3A_3 : i32
    %dma_start3A = arith.constant 0 : i32
    %dma_start3A_5 = tpu.memref_slice %arg6[%dma_start3A] : memref<512xi32, #tpu.memory_space<vmem>> -> memref<128xi32, #tpu.memory_space<vmem>>
    %dma_start3A_6 = tpu.memref_slice %arg3[%add3A_4] : memref<16384xi32, #tpu.memory_space<hbm>> -> memref<128xi32, #tpu.memory_space<hbm>>
    %dma_start3A_7 = arith.constant 0 : i32
    %dma_start3A_8 = tpu.memref_slice %arg6[%dma_start3A_7] : memref<512xi32, #tpu.memory_space<vmem>> -> memref<128xi32, #tpu.memory_space<vmem>>
    %dma_start3A_9 = tpu.memref_slice %arg3[%add3A_4] : memref<16384xi32, #tpu.memory_space<hbm>> -> memref<128xi32, #tpu.memory_space<hbm>>
    tpu.enqueue_dma source(%dma_start3A_9 : memref<128xi32, #tpu.memory_space<hbm>>) target(%dma_start3A_8 : memref<128xi32, #tpu.memory_space<vmem>>) target_semaphore(%arg9 : memref<!tpu.dma_semaphore, #tpu.memory_space<semaphore_mem>>)
    %add3A_10 = arith.constant 128 : i32
    %add3A_11 = arith.addi %mul3A_2, %add3A_10 : i32
    %dma_start3A_12 = arith.constant 128 : i32
    %dma_start3A_13 = tpu.memref_slice %arg6[%dma_start3A_12] : memref<512xi32, #tpu.memory_space<vmem>> -> memref<128xi32, #tpu.memory_space<vmem>>
    %dma_start3A_14 = tpu.memref_slice %arg3[%add3A_11] : memref<16384xi32, #tpu.memory_space<hbm>> -> memref<128xi32, #tpu.memory_space<hbm>>
    %dma_start3A_15 = arith.constant 128 : i32
    %dma_start3A_16 = tpu.memref_slice %arg6[%dma_start3A_15] : memref<512xi32, #tpu.memory_space<vmem>> -> memref<128xi32, #tpu.memory_space<vmem>>
    %dma_start3A_17 = tpu.memref_slice %arg3[%add3A_11] : memref<16384xi32, #tpu.memory_space<hbm>> -> memref<128xi32, #tpu.memory_space<hbm>>
    tpu.enqueue_dma source(%dma_start3A_17 : memref<128xi32, #tpu.memory_space<hbm>>) target(%dma_start3A_16 : memref<128xi32, #tpu.memory_space<vmem>>) target_semaphore(%arg10 : memref<!tpu.dma_semaphore, #tpu.memory_space<semaphore_mem>>)
    %add3A_18 = arith.constant 256 : i32
    %add3A_19 = arith.addi %mul3A_2, %add3A_18 : i32
    %dma_start3A_20 = arith.constant 256 : i32
    %dma_start3A_21 = tpu.memref_slice %arg6[%dma_start3A_20] : memref<512xi32, #tpu.memory_space<vmem>> -> memref<128xi32, #tpu.memory_space<vmem>>
    %dma_start3A_22 = tpu.memref_slice %arg3[%add3A_19] : memref<16384xi32, #tpu.memory_space<hbm>> -> memref<128xi32, #tpu.memory_space<hbm>>
    %dma_start3A_23 = arith.constant 256 : i32
    %dma_start3A_24 = tpu.memref_slice %arg6[%dma_start3A_23] : memref<512xi32, #tpu.memory_space<vmem>> -> memref<128xi32, #tpu.memory_space<vmem>>
    %dma_start3A_25 = tpu.memref_slice %arg3[%add3A_19] : memref<16384xi32, #tpu.memory_space<hbm>> -> memref<128xi32, #tpu.memory_space<hbm>>
    tpu.enqueue_dma source(%dma_start3A_25 : memref<128xi32, #tpu.memory_space<hbm>>) target(%dma_start3A_24 : memref<128xi32, #tpu.memory_space<vmem>>) target_semaphore(%arg11 : memref<!tpu.dma_semaphore, #tpu.memory_space<semaphore_mem>>)
    %add3A_26 = arith.constant 384 : i32
    %add3A_27 = arith.addi %mul3A_2, %add3A_26 : i32
    %dma_start3A_28 = arith.constant 384 : i32
    %dma_start3A_29 = tpu.memref_slice %arg6[%dma_start3A_28] : memref<512xi32, #tpu.memory_space<vmem>> -> memref<128xi32, #tpu.memory_space<vmem>>
    %dma_start3A_30 = tpu.memref_slice %arg3[%add3A_27] : memref<16384xi32, #tpu.memory_space<hbm>> -> memref<128xi32, #tpu.memory_space<hbm>>
    %dma_start3A_31 = arith.constant 384 : i32
    %dma_start3A_32 = tpu.memref_slice %arg6[%dma_start3A_31] : memref<512xi32, #tpu.memory_space<vmem>> -> memref<128xi32, #tpu.memory_space<vmem>>
    %dma_start3A_33 = tpu.memref_slice %arg3[%add3A_27] : memref<16384xi32, #tpu.memory_space<hbm>> -> memref<128xi32, #tpu.memory_space<hbm>>
    tpu.enqueue_dma source(%dma_start3A_33 : memref<128xi32, #tpu.memory_space<hbm>>) target(%dma_start3A_32 : memref<128xi32, #tpu.memory_space<vmem>>) target_semaphore(%arg12 : memref<!tpu.dma_semaphore, #tpu.memory_space<semaphore_mem>>)
    %dma_start3A_34 = tpu.memref_slice %arg2[%mul3A_2] : memref<16384xf32, #tpu.memory_space<hbm>> -> memref<512xf32, #tpu.memory_space<hbm>>
    %dma_start3A_35 = tpu.memref_slice %arg2[%mul3A_2] : memref<16384xf32, #tpu.memory_space<hbm>> -> memref<512xf32, #tpu.memory_space<hbm>>
    tpu.enqueue_dma source(%dma_start3A_35 : memref<512xf32, #tpu.memory_space<hbm>>) target(%arg8 : memref<512xf32, #tpu.memory_space<vmem>>) target_semaphore(%arg17 : memref<!tpu.dma_semaphore, #tpu.memory_space<semaphore_mem>>)
    %dma_wait3A = arith.constant 0 : i32
    %dma_wait3A_36 = tpu.memref_slice %arg6[%dma_wait3A] : memref<512xi32, #tpu.memory_space<vmem>> -> memref<128xi32, #tpu.memory_space<vmem>>
    %dma_wait3A_37 = tpu.memref_slice %arg3[%add3A_4] : memref<16384xi32, #tpu.memory_space<hbm>> -> memref<128xi32, #tpu.memory_space<hbm>>
    %dma_wait3A_38 = arith.constant 0 : i32
    %dma_wait3A_39 = tpu.memref_slice %arg6[%dma_wait3A_38] : memref<512xi32, #tpu.memory_space<vmem>> -> memref<128xi32, #tpu.memory_space<vmem>>
    %dma_wait3A_40 = tpu.memref_slice %arg3[%add3A_4] : memref<16384xi32, #tpu.memory_space<hbm>> -> memref<128xi32, #tpu.memory_space<hbm>>
    tpu.wait_dma2 semaphore(%arg9 : memref<!tpu.dma_semaphore, #tpu.memory_space<semaphore_mem>>) src(%dma_wait3A_40 : memref<128xi32, #tpu.memory_space<hbm>>) dst(%dma_wait3A_39 : memref<128xi32, #tpu.memory_space<vmem>>)
    %dma_start3A_41 = arith.constant 0 : i32
    %dma_start3A_42 = tpu.memref_slice %arg7[%dma_start3A_41] : memref<512xf32, #tpu.memory_space<vmem>> -> memref<128xf32, #tpu.memory_space<vmem>>
    %dma_start3A_43 = arith.constant 0 : i32
    %dma_start3A_44 = tpu.memref_slice %arg6[%dma_start3A_43] : memref<512xi32, #tpu.memory_space<vmem>> -> memref<128xi32, #tpu.memory_space<vmem>>
    %dma_start3A_45 = arith.constant 0 : i32
    %dma_start3A_46 = tpu.memref_slice %arg4[%dma_start3A_45] : memref<100000xf32, #tpu.memory_space<hbm>> -> memref<100000xf32, #tpu.memory_space<hbm>>
    tpu.enqueue_indirect_dma source(%dma_start3A_46 : memref<100000xf32, #tpu.memory_space<hbm>>) target(%dma_start3A_42 : memref<128xf32, #tpu.memory_space<vmem>>) offsets(%dma_start3A_44 : memref<128xi32, #tpu.memory_space<vmem>>) semaphore(%arg13 : memref<!tpu.dma_semaphore, #tpu.memory_space<semaphore_mem>>)
    %dma_wait3A_47 = arith.constant 128 : i32
    %dma_wait3A_48 = tpu.memref_slice %arg6[%dma_wait3A_47] : memref<512xi32, #tpu.memory_space<vmem>> -> memref<128xi32, #tpu.memory_space<vmem>>
    %dma_wait3A_49 = tpu.memref_slice %arg3[%add3A_11] : memref<16384xi32, #tpu.memory_space<hbm>> -> memref<128xi32, #tpu.memory_space<hbm>>
    %dma_wait3A_50 = arith.constant 128 : i32
    %dma_wait3A_51 = tpu.memref_slice %arg6[%dma_wait3A_50] : memref<512xi32, #tpu.memory_space<vmem>> -> memref<128xi32, #tpu.memory_space<vmem>>
    %dma_wait3A_52 = tpu.memref_slice %arg3[%add3A_11] : memref<16384xi32, #tpu.memory_space<hbm>> -> memref<128xi32, #tpu.memory_space<hbm>>
    tpu.wait_dma2 semaphore(%arg10 : memref<!tpu.dma_semaphore, #tpu.memory_space<semaphore_mem>>) src(%dma_wait3A_52 : memref<128xi32, #tpu.memory_space<hbm>>) dst(%dma_wait3A_51 : memref<128xi32, #tpu.memory_space<vmem>>)
    %dma_start3A_53 = arith.constant 128 : i32
    %dma_start3A_54 = tpu.memref_slice %arg7[%dma_start3A_53] : memref<512xf32, #tpu.memory_space<vmem>> -> memref<128xf32, #tpu.memory_space<vmem>>
    %dma_start3A_55 = arith.constant 128 : i32
    %dma_start3A_56 = tpu.memref_slice %arg6[%dma_start3A_55] : memref<512xi32, #tpu.memory_space<vmem>> -> memref<128xi32, #tpu.memory_space<vmem>>
    %dma_start3A_57 = arith.constant 0 : i32
    %dma_start3A_58 = tpu.memref_slice %arg4[%dma_start3A_57] : memref<100000xf32, #tpu.memory_space<hbm>> -> memref<100000xf32, #tpu.memory_space<hbm>>
    tpu.enqueue_indirect_dma source(%dma_start3A_58 : memref<100000xf32, #tpu.memory_space<hbm>>) target(%dma_start3A_54 : memref<128xf32, #tpu.memory_space<vmem>>) offsets(%dma_start3A_56 : memref<128xi32, #tpu.memory_space<vmem>>) semaphore(%arg14 : memref<!tpu.dma_semaphore, #tpu.memory_space<semaphore_mem>>)
    %dma_wait3A_59 = arith.constant 256 : i32
    %dma_wait3A_60 = tpu.memref_slice %arg6[%dma_wait3A_59] : memref<512xi32, #tpu.memory_space<vmem>> -> memref<128xi32, #tpu.memory_space<vmem>>
    %dma_wait3A_61 = tpu.memref_slice %arg3[%add3A_19] : memref<16384xi32, #tpu.memory_space<hbm>> -> memref<128xi32, #tpu.memory_space<hbm>>
    %dma_wait3A_62 = arith.constant 256 : i32
    %dma_wait3A_63 = tpu.memref_slice %arg6[%dma_wait3A_62] : memref<512xi32, #tpu.memory_space<vmem>> -> memref<128xi32, #tpu.memory_space<vmem>>
    %dma_wait3A_64 = tpu.memref_slice %arg3[%add3A_19] : memref<16384xi32, #tpu.memory_space<hbm>> -> memref<128xi32, #tpu.memory_space<hbm>>
    tpu.wait_dma2 semaphore(%arg11 : memref<!tpu.dma_semaphore, #tpu.memory_space<semaphore_mem>>) src(%dma_wait3A_64 : memref<128xi32, #tpu.memory_space<hbm>>) dst(%dma_wait3A_63 : memref<128xi32, #tpu.memory_space<vmem>>)
    %dma_start3A_65 = arith.constant 256 : i32
    %dma_start3A_66 = tpu.memref_slice %arg7[%dma_start3A_65] : memref<512xf32, #tpu.memory_space<vmem>> -> memref<128xf32, #tpu.memory_space<vmem>>
    %dma_start3A_67 = arith.constant 256 : i32
    %dma_start3A_68 = tpu.memref_slice %arg6[%dma_start3A_67] : memref<512xi32, #tpu.memory_space<vmem>> -> memref<128xi32, #tpu.memory_space<vmem>>
    %dma_start3A_69 = arith.constant 0 : i32
    %dma_start3A_70 = tpu.memref_slice %arg4[%dma_start3A_69] : memref<100000xf32, #tpu.memory_space<hbm>> -> memref<100000xf32, #tpu.memory_space<hbm>>
    tpu.enqueue_indirect_dma source(%dma_start3A_70 : memref<100000xf32, #tpu.memory_space<hbm>>) target(%dma_start3A_66 : memref<128xf32, #tpu.memory_space<vmem>>) offsets(%dma_start3A_68 : memref<128xi32, #tpu.memory_space<vmem>>) semaphore(%arg15 : memref<!tpu.dma_semaphore, #tpu.memory_space<semaphore_mem>>)
    %dma_wait3A_71 = arith.constant 384 : i32
    %dma_wait3A_72 = tpu.memref_slice %arg6[%dma_wait3A_71] : memref<512xi32, #tpu.memory_space<vmem>> -> memref<128xi32, #tpu.memory_space<vmem>>
    %dma_wait3A_73 = tpu.memref_slice %arg3[%add3A_27] : memref<16384xi32, #tpu.memory_space<hbm>> -> memref<128xi32, #tpu.memory_space<hbm>>
    %dma_wait3A_74 = arith.constant 384 : i32
    %dma_wait3A_75 = tpu.memref_slice %arg6[%dma_wait3A_74] : memref<512xi32, #tpu.memory_space<vmem>> -> memref<128xi32, #tpu.memory_space<vmem>>
    %dma_wait3A_76 = tpu.memref_slice %arg3[%add3A_27] : memref<16384xi32, #tpu.memory_space<hbm>> -> memref<128xi32, #tpu.memory_space<hbm>>
    tpu.wait_dma2 semaphore(%arg12 : memref<!tpu.dma_semaphore, #tpu.memory_space<semaphore_mem>>) src(%dma_wait3A_76 : memref<128xi32, #tpu.memory_space<hbm>>) dst(%dma_wait3A_75 : memref<128xi32, #tpu.memory_space<vmem>>)
    %dma_start3A_77 = arith.constant 384 : i32
    %dma_start3A_78 = tpu.memref_slice %arg7[%dma_start3A_77] : memref<512xf32, #tpu.memory_space<vmem>> -> memref<128xf32, #tpu.memory_space<vmem>>
    %dma_start3A_79 = arith.constant 384 : i32
    %dma_start3A_80 = tpu.memref_slice %arg6[%dma_start3A_79] : memref<512xi32, #tpu.memory_space<vmem>> -> memref<128xi32, #tpu.memory_space<vmem>>
    %dma_start3A_81 = arith.constant 0 : i32
    %dma_start3A_82 = tpu.memref_slice %arg4[%dma_start3A_81] : memref<100000xf32, #tpu.memory_space<hbm>> -> memref<100000xf32, #tpu.memory_space<hbm>>
    tpu.enqueue_indirect_dma source(%dma_start3A_82 : memref<100000xf32, #tpu.memory_space<hbm>>) target(%dma_start3A_78 : memref<128xf32, #tpu.memory_space<vmem>>) offsets(%dma_start3A_80 : memref<128xi32, #tpu.memory_space<vmem>>) semaphore(%arg16 : memref<!tpu.dma_semaphore, #tpu.memory_space<semaphore_mem>>)
    %dma_wait3A_83 = tpu.memref_slice %arg2[%mul3A_2] : memref<16384xf32, #tpu.memory_space<hbm>> -> memref<512xf32, #tpu.memory_space<hbm>>
    %dma_wait3A_84 = tpu.memref_slice %arg2[%mul3A_2] : memref<16384xf32, #tpu.memory_space<hbm>> -> memref<512xf32, #tpu.memory_space<hbm>>
    tpu.wait_dma2 semaphore(%arg17 : memref<!tpu.dma_semaphore, #tpu.memory_space<semaphore_mem>>) src(%dma_wait3A_84 : memref<512xf32, #tpu.memory_space<hbm>>) dst(%arg8 : memref<512xf32, #tpu.memory_space<vmem>>)
    %dma_wait3A_85 = arith.constant 0 : i32
    %dma_wait3A_86 = tpu.memref_slice %arg7[%dma_wait3A_85] : memref<512xf32, #tpu.memory_space<vmem>> -> memref<128xf32, #tpu.memory_space<vmem>>
    %dma_wait3A_87 = arith.constant 0 : i32
    %dma_wait3A_88 = tpu.memref_slice %arg6[%dma_wait3A_87] : memref<512xi32, #tpu.memory_space<vmem>> -> memref<128xi32, #tpu.memory_space<vmem>>
    %dma_wait3A_89 = arith.constant 0 : i32
    %dma_wait3A_90 = tpu.memref_slice %arg4[%dma_wait3A_89] : memref<100000xf32, #tpu.memory_space<hbm>> -> memref<100000xf32, #tpu.memory_space<hbm>>
    tpu.wait_indirect_dma semaphore(%arg13 : memref<!tpu.dma_semaphore, #tpu.memory_space<semaphore_mem>>) src(%dma_wait3A_90 : memref<100000xf32, #tpu.memory_space<hbm>>) dst(%dma_wait3A_86 : memref<128xf32, #tpu.memory_space<vmem>>)
    %get3A = arith.constant 0 : index
    %get3A_91 = tpu.vector_load %arg8[%get3A] {strides = array<i32>} : memref<512xf32, #tpu.memory_space<vmem>>, vector<16xf32>,
    %get3A_92 = vector.shape_cast %get3A_91 : vector<16xf32> to vector<16xf32>
    %get3A_93 = arith.constant 0 : index
    %get3A_94 = tpu.vector_load %arg7[%get3A_93] {strides = array<i32>} : memref<512xf32, #tpu.memory_space<vmem>>, vector<16xf32>,
    %get3A_95 = vector.shape_cast %get3A_94 : vector<16xf32> to vector<16xf32>
    %mul3A_96 = arith.mulf %get3A_92, %get3A_95 : vector<16xf32>
    %swap3A = arith.constant 0 : index
    %swap3A_97 = tpu.vector_load %arg8[%swap3A] {strides = array<i32>} : memref<512xf32, #tpu.memory_space<vmem>>, vector<16xf32>,
    %swap3A_98 = vector.shape_cast %swap3A_97 : vector<16xf32> to vector<16xf32>
    %swap3A_99 = vector.shape_cast %mul3A_96 : vector<16xf32> to vector<16xf32>
    tpu.vector_store %arg8[%swap3A], %swap3A_99 {strides = array<i32>} : memref<512xf32, #tpu.memory_space<vmem>>, vector<16xf32>,
    %get3A_100 = arith.constant 16 : index
    %get3A_101 = tpu.vector_load %arg8[%get3A_100] {strides = array<i32>} : memref<512xf32, #tpu.memory_space<vmem>>, vector<16xf32>,
    %get3A_102 = vector.shape_cast %get3A_101 : vector<16xf32> to vector<16xf32>
    %get3A_103 = arith.constant 16 : index
    %get3A_104 = tpu.vector_load %arg7[%get3A_103] {strides = array<i32>} : memref<512xf32, #tpu.memory_space<vmem>>, vector<16xf32>,
    %get3A_105 = vector.shape_cast %get3A_104 : vector<16xf32> to vector<16xf32>
    %mul3A_106 = arith.mulf %get3A_102, %get3A_105 : vector<16xf32>
    %swap3A_107 = arith.constant 16 : index
    %swap3A_108 = tpu.vector_load %arg8[%swap3A_107] {strides = array<i32>} : memref<512xf32, #tpu.memory_space<vmem>>, vector<16xf32>,
    %swap3A_109 = vector.shape_cast %swap3A_108 : vector<16xf32> to vector<16xf32>
    %swap3A_110 = vector.shape_cast %mul3A_106 : vector<16xf32> to vector<16xf32>
    tpu.vector_store %arg8[%swap3A_107], %swap3A_110 {strides = array<i32>} : memref<512xf32, #tpu.memory_space<vmem>>, vector<16xf32>,
    %get3A_111 = arith.constant 32 : index
    %get3A_112 = tpu.vector_load %arg8[%get3A_111] {strides = array<i32>} : memref<512xf32, #tpu.memory_space<vmem>>, vector<16xf32>,
    %get3A_113 = vector.shape_cast %get3A_112 : vector<16xf32> to vector<16xf32>
    %get3A_114 = arith.constant 32 : index
    %get3A_115 = tpu.vector_load %arg7[%get3A_114] {strides = array<i32>} : memref<512xf32, #tpu.memory_space<vmem>>, vector<16xf32>,
    %get3A_116 = vector.shape_cast %get3A_115 : vector<16xf32> to vector<16xf32>
    %mul3A_117 = arith.mulf %get3A_113, %get3A_116 : vector<16xf32>
    %swap3A_118 = arith.constant 32 : index
    %swap3A_119 = tpu.vector_load %arg8[%swap3A_118] {strides = array<i32>} : memref<512xf32, #tpu.memory_space<vmem>>, vector<16xf32>,
    %swap3A_120 = vector.shape_cast %swap3A_119 : vector<16xf32> to vector<16xf32>
    %swap3A_121 = vector.shape_cast %mul3A_117 : vector<16xf32> to vector<16xf32>
    tpu.vector_store %arg8[%swap3A_118], %swap3A_121 {strides = array<i32>} : memref<512xf32, #tpu.memory_space<vmem>>, vector<16xf32>,
    %get3A_122 = arith.constant 48 : index
    %get3A_123 = tpu.vector_load %arg8[%get3A_122] {strides = array<i32>} : memref<512xf32, #tpu.memory_space<vmem>>, vector<16xf32>,
    %get3A_124 = vector.shape_cast %get3A_123 : vector<16xf32> to vector<16xf32>
    %get3A_125 = arith.constant 48 : index
    %get3A_126 = tpu.vector_load %arg7[%get3A_125] {strides = array<i32>} : memref<512xf32, #tpu.memory_space<vmem>>, vector<16xf32>,
    %get3A_127 = vector.shape_cast %get3A_126 : vector<16xf32> to vector<16xf32>
    %mul3A_128 = arith.mulf %get3A_124, %get3A_127 : vector<16xf32>
    %swap3A_129 = arith.constant 48 : index
    %swap3A_130 = tpu.vector_load %arg8[%swap3A_129] {strides = array<i32>} : memref<512xf32, #tpu.memory_space<vmem>>, vector<16xf32>,
    %swap3A_131 = vector.shape_cast %swap3A_130 : vector<16xf32> to vector<16xf32>
    %swap3A_132 = vector.shape_cast %mul3A_128 : vector<16xf32> to vector<16xf32>
    tpu.vector_store %arg8[%swap3A_129], %swap3A_132 {strides = array<i32>} : memref<512xf32, #tpu.memory_space<vmem>>, vector<16xf32>,
    %get3A_133 = arith.constant 64 : index
    %get3A_134 = tpu.vector_load %arg8[%get3A_133] {strides = array<i32>} : memref<512xf32, #tpu.memory_space<vmem>>, vector<16xf32>,
    %get3A_135 = vector.shape_cast %get3A_134 : vector<16xf32> to vector<16xf32>
    %get3A_136 = arith.constant 64 : index
    %get3A_137 = tpu.vector_load %arg7[%get3A_136] {strides = array<i32>} : memref<512xf32, #tpu.memory_space<vmem>>, vector<16xf32>,
    %get3A_138 = vector.shape_cast %get3A_137 : vector<16xf32> to vector<16xf32>
    %mul3A_139 = arith.mulf %get3A_135, %get3A_138 : vector<16xf32>
    %swap3A_140 = arith.constant 64 : index
    %swap3A_141 = tpu.vector_load %arg8[%swap3A_140] {strides = array<i32>} : memref<512xf32, #tpu.memory_space<vmem>>, vector<16xf32>,
    %swap3A_142 = vector.shape_cast %swap3A_141 : vector<16xf32> to vector<16xf32>
    %swap3A_143 = vector.shape_cast %mul3A_139 : vector<16xf32> to vector<16xf32>
    tpu.vector_store %arg8[%swap3A_140], %swap3A_143 {strides = array<i32>} : memref<512xf32, #tpu.memory_space<vmem>>, vector<16xf32>,
    %get3A_144 = arith.constant 80 : index
    %get3A_145 = tpu.vector_load %arg8[%get3A_144] {strides = array<i32>} : memref<512xf32, #tpu.memory_space<vmem>>, vector<16xf32>,
    %get3A_146 = vector.shape_cast %get3A_145 : vector<16xf32> to vector<16xf32>
    %get3A_147 = arith.constant 80 : index
    %get3A_148 = tpu.vector_load %arg7[%get3A_147] {strides = array<i32>} : memref<512xf32, #tpu.memory_space<vmem>>, vector<16xf32>,
    %get3A_149 = vector.shape_cast %get3A_148 : vector<16xf32> to vector<16xf32>
    %mul3A_150 = arith.mulf %get3A_146, %get3A_149 : vector<16xf32>
    %swap3A_151 = arith.constant 80 : index
    %swap3A_152 = tpu.vector_load %arg8[%swap3A_151] {strides = array<i32>} : memref<512xf32, #tpu.memory_space<vmem>>, vector<16xf32>,
    %swap3A_153 = vector.shape_cast %swap3A_152 : vector<16xf32> to vector<16xf32>
    %swap3A_154 = vector.shape_cast %mul3A_150 : vector<16xf32> to vector<16xf32>
    tpu.vector_store %arg8[%swap3A_151], %swap3A_154 {strides = array<i32>} : memref<512xf32, #tpu.memory_space<vmem>>, vector<16xf32>,
    %get3A_155 = arith.constant 96 : index
    %get3A_156 = tpu.vector_load %arg8[%get3A_155] {strides = array<i32>} : memref<512xf32, #tpu.memory_space<vmem>>, vector<16xf32>,
    %get3A_157 = vector.shape_cast %get3A_156 : vector<16xf32> to vector<16xf32>
    %get3A_158 = arith.constant 96 : index
    %get3A_159 = tpu.vector_load %arg7[%get3A_158] {strides = array<i32>} : memref<512xf32, #tpu.memory_space<vmem>>, vector<16xf32>,
    %get3A_160 = vector.shape_cast %get3A_159 : vector<16xf32> to vector<16xf32>
    %mul3A_161 = arith.mulf %get3A_157, %get3A_160 : vector<16xf32>
    %swap3A_162 = arith.constant 96 : index
    %swap3A_163 = tpu.vector_load %arg8[%swap3A_162] {strides = array<i32>} : memref<512xf32, #tpu.memory_space<vmem>>, vector<16xf32>,
    %swap3A_164 = vector.shape_cast %swap3A_163 : vector<16xf32> to vector<16xf32>
    %swap3A_165 = vector.shape_cast %mul3A_161 : vector<16xf32> to vector<16xf32>
    tpu.vector_store %arg8[%swap3A_162], %swap3A_165 {strides = array<i32>} : memref<512xf32, #tpu.memory_space<vmem>>, vector<16xf32>,
    %get3A_166 = arith.constant 112 : index
    %get3A_167 = tpu.vector_load %arg8[%get3A_166] {strides = array<i32>} : memref<512xf32, #tpu.memory_space<vmem>>, vector<16xf32>,
    %get3A_168 = vector.shape_cast %get3A_167 : vector<16xf32> to vector<16xf32>
    %get3A_169 = arith.constant 112 : index
    %get3A_170 = tpu.vector_load %arg7[%get3A_169] {strides = array<i32>} : memref<512xf32, #tpu.memory_space<vmem>>, vector<16xf32>,
    %get3A_171 = vector.shape_cast %get3A_170 : vector<16xf32> to vector<16xf32>
    %mul3A_172 = arith.mulf %get3A_168, %get3A_171 : vector<16xf32>
    %swap3A_173 = arith.constant 112 : index
    %swap3A_174 = tpu.vector_load %arg8[%swap3A_173] {strides = array<i32>} : memref<512xf32, #tpu.memory_space<vmem>>, vector<16xf32>,
    %swap3A_175 = vector.shape_cast %swap3A_174 : vector<16xf32> to vector<16xf32>
    %swap3A_176 = vector.shape_cast %mul3A_172 : vector<16xf32> to vector<16xf32>
    tpu.vector_store %arg8[%swap3A_173], %swap3A_176 {strides = array<i32>} : memref<512xf32, #tpu.memory_space<vmem>>, vector<16xf32>,
    %add3A_177 = arith.constant 0 : i32
    %add3A_178 = arith.addi %mul3A_2, %add3A_177 : i32
    %dma_start3A_179 = arith.constant 0 : i32
    %dma_start3A_180 = tpu.memref_slice %arg8[%dma_start3A_179] : memref<512xf32, #tpu.memory_space<vmem>> -> memref<128xf32, #tpu.memory_space<vmem>>
    %dma_start3A_181 = tpu.memref_slice %arg5[%add3A_178] : memref<16384xf32, #tpu.memory_space<hbm>> -> memref<128xf32, #tpu.memory_space<hbm>>
    %dma_start3A_182 = tpu.memref_slice %arg5[%add3A_178] : memref<16384xf32, #tpu.memory_space<hbm>> -> memref<128xf32, #tpu.memory_space<hbm>>
    %dma_start3A_183 = arith.constant 0 : i32
    %dma_start3A_184 = tpu.memref_slice %arg8[%dma_start3A_183] : memref<512xf32, #tpu.memory_space<vmem>> -> memref<128xf32, #tpu.memory_space<vmem>>
    tpu.enqueue_dma source(%dma_start3A_184 : memref<128xf32, #tpu.memory_space<vmem>>) target(%dma_start3A_182 : memref<128xf32, #tpu.memory_space<hbm>>) target_semaphore(%arg18 : memref<!tpu.dma_semaphore, #tpu.memory_space<semaphore_mem>>)
    %dma_wait3A_185 = arith.constant 128 : i32
    %dma_wait3A_186 = tpu.memref_slice %arg7[%dma_wait3A_185] : memref<512xf32, #tpu.memory_space<vmem>> -> memref<128xf32, #tpu.memory_space<vmem>>
    %dma_wait3A_187 = arith.constant 128 : i32
    %dma_wait3A_188 = tpu.memref_slice %arg6[%dma_wait3A_187] : memref<512xi32, #tpu.memory_space<vmem>> -> memref<128xi32, #tpu.memory_space<vmem>>
    %dma_wait3A_189 = arith.constant 0 : i32
    %dma_wait3A_190 = tpu.memref_slice %arg4[%dma_wait3A_189] : memref<100000xf32, #tpu.memory_space<hbm>> -> memref<100000xf32, #tpu.memory_space<hbm>>
    tpu.wait_indirect_dma semaphore(%arg14 : memref<!tpu.dma_semaphore, #tpu.memory_space<semaphore_mem>>) src(%dma_wait3A_190 : memref<100000xf32, #tpu.memory_space<hbm>>) dst(%dma_wait3A_186 : memref<128xf32, #tpu.memory_space<vmem>>)
    %get3A_191 = arith.constant 128 : index
    %get3A_192 = tpu.vector_load %arg8[%get3A_191] {strides = array<i32>} : memref<512xf32, #tpu.memory_space<vmem>>, vector<16xf32>,
    %get3A_193 = vector.shape_cast %get3A_192 : vector<16xf32> to vector<16xf32>
    %get3A_194 = arith.constant 128 : index
    %get3A_195 = tpu.vector_load %arg7[%get3A_194] {strides = array<i32>} : memref<512xf32, #tpu.memory_space<vmem>>, vector<16xf32>,
    %get3A_196 = vector.shape_cast %get3A_195 : vector<16xf32> to vector<16xf32>
    %mul3A_197 = arith.mulf %get3A_193, %get3A_196 : vector<16xf32>
    %swap3A_198 = arith.constant 128 : index
    %swap3A_199 = tpu.vector_load %arg8[%swap3A_198] {strides = array<i32>} : memref<512xf32, #tpu.memory_space<vmem>>, vector<16xf32>,
    %swap3A_200 = vector.shape_cast %swap3A_199 : vector<16xf32> to vector<16xf32>
    %swap3A_201 = vector.shape_cast %mul3A_197 : vector<16xf32> to vector<16xf32>
    tpu.vector_store %arg8[%swap3A_198], %swap3A_201 {strides = array<i32>} : memref<512xf32, #tpu.memory_space<vmem>>, vector<16xf32>,
    %get3A_202 = arith.constant 144 : index
    %get3A_203 = tpu.vector_load %arg8[%get3A_202] {strides = array<i32>} : memref<512xf32, #tpu.memory_space<vmem>>, vector<16xf32>,
    %get3A_204 = vector.shape_cast %get3A_203 : vector<16xf32> to vector<16xf32>
    %get3A_205 = arith.constant 144 : index
    %get3A_206 = tpu.vector_load %arg7[%get3A_205] {strides = array<i32>} : memref<512xf32, #tpu.memory_space<vmem>>, vector<16xf32>,
    %get3A_207 = vector.shape_cast %get3A_206 : vector<16xf32> to vector<16xf32>
    %mul3A_208 = arith.mulf %get3A_204, %get3A_207 : vector<16xf32>
    %swap3A_209 = arith.constant 144 : index
    %swap3A_210 = tpu.vector_load %arg8[%swap3A_209] {strides = array<i32>} : memref<512xf32, #tpu.memory_space<vmem>>, vector<16xf32>,
    %swap3A_211 = vector.shape_cast %swap3A_210 : vector<16xf32> to vector<16xf32>
    %swap3A_212 = vector.shape_cast %mul3A_208 : vector<16xf32> to vector<16xf32>
    tpu.vector_store %arg8[%swap3A_209], %swap3A_212 {strides = array<i32>} : memref<512xf32, #tpu.memory_space<vmem>>, vector<16xf32>,
    %get3A_213 = arith.constant 160 : index
    %get3A_214 = tpu.vector_load %arg8[%get3A_213] {strides = array<i32>} : memref<512xf32, #tpu.memory_space<vmem>>, vector<16xf32>,
    %get3A_215 = vector.shape_cast %get3A_214 : vector<16xf32> to vector<16xf32>
    %get3A_216 = arith.constant 160 : index
    %get3A_217 = tpu.vector_load %arg7[%get3A_216] {strides = array<i32>} : memref<512xf32, #tpu.memory_space<vmem>>, vector<16xf32>,
    %get3A_218 = vector.shape_cast %get3A_217 : vector<16xf32> to vector<16xf32>
    %mul3A_219 = arith.mulf %get3A_215, %get3A_218 : vector<16xf32>
    %swap3A_220 = arith.constant 160 : index
    %swap3A_221 = tpu.vector_load %arg8[%swap3A_220] {strides = array<i32>} : memref<512xf32, #tpu.memory_space<vmem>>, vector<16xf32>,
    %swap3A_222 = vector.shape_cast %swap3A_221 : vector<16xf32> to vector<16xf32>
    %swap3A_223 = vector.shape_cast %mul3A_219 : vector<16xf32> to vector<16xf32>
    tpu.vector_store %arg8[%swap3A_220], %swap3A_223 {strides = array<i32>} : memref<512xf32, #tpu.memory_space<vmem>>, vector<16xf32>,
    %get3A_224 = arith.constant 176 : index
    %get3A_225 = tpu.vector_load %arg8[%get3A_224] {strides = array<i32>} : memref<512xf32, #tpu.memory_space<vmem>>, vector<16xf32>,
    %get3A_226 = vector.shape_cast %get3A_225 : vector<16xf32> to vector<16xf32>
    %get3A_227 = arith.constant 176 : index
    %get3A_228 = tpu.vector_load %arg7[%get3A_227] {strides = array<i32>} : memref<512xf32, #tpu.memory_space<vmem>>, vector<16xf32>,
    %get3A_229 = vector.shape_cast %get3A_228 : vector<16xf32> to vector<16xf32>
    %mul3A_230 = arith.mulf %get3A_226, %get3A_229 : vector<16xf32>
    %swap3A_231 = arith.constant 176 : index
    %swap3A_232 = tpu.vector_load %arg8[%swap3A_231] {strides = array<i32>} : memref<512xf32, #tpu.memory_space<vmem>>, vector<16xf32>,
    %swap3A_233 = vector.shape_cast %swap3A_232 : vector<16xf32> to vector<16xf32>
    %swap3A_234 = vector.shape_cast %mul3A_230 : vector<16xf32> to vector<16xf32>
    tpu.vector_store %arg8[%swap3A_231], %swap3A_234 {strides = array<i32>} : memref<512xf32, #tpu.memory_space<vmem>>, vector<16xf32>,
    %get3A_235 = arith.constant 192 : index
    %get3A_236 = tpu.vector_load %arg8[%get3A_235] {strides = array<i32>} : memref<512xf32, #tpu.memory_space<vmem>>, vector<16xf32>,
    %get3A_237 = vector.shape_cast %get3A_236 : vector<16xf32> to vector<16xf32>
    %get3A_238 = arith.constant 192 : index
    %get3A_239 = tpu.vector_load %arg7[%get3A_238] {strides = array<i32>} : memref<512xf32, #tpu.memory_space<vmem>>, vector<16xf32>,
    %get3A_240 = vector.shape_cast %get3A_239 : vector<16xf32> to vector<16xf32>
    %mul3A_241 = arith.mulf %get3A_237, %get3A_240 : vector<16xf32>
    %swap3A_242 = arith.constant 192 : index
    %swap3A_243 = tpu.vector_load %arg8[%swap3A_242] {strides = array<i32>} : memref<512xf32, #tpu.memory_space<vmem>>, vector<16xf32>,
    %swap3A_244 = vector.shape_cast %swap3A_243 : vector<16xf32> to vector<16xf32>
    %swap3A_245 = vector.shape_cast %mul3A_241 : vector<16xf32> to vector<16xf32>
    tpu.vector_store %arg8[%swap3A_242], %swap3A_245 {strides = array<i32>} : memref<512xf32, #tpu.memory_space<vmem>>, vector<16xf32>,
    %get3A_246 = arith.constant 208 : index
    %get3A_247 = tpu.vector_load %arg8[%get3A_246] {strides = array<i32>} : memref<512xf32, #tpu.memory_space<vmem>>, vector<16xf32>,
    %get3A_248 = vector.shape_cast %get3A_247 : vector<16xf32> to vector<16xf32>
    %get3A_249 = arith.constant 208 : index
    %get3A_250 = tpu.vector_load %arg7[%get3A_249] {strides = array<i32>} : memref<512xf32, #tpu.memory_space<vmem>>, vector<16xf32>,
    %get3A_251 = vector.shape_cast %get3A_250 : vector<16xf32> to vector<16xf32>
    %mul3A_252 = arith.mulf %get3A_248, %get3A_251 : vector<16xf32>
    %swap3A_253 = arith.constant 208 : index
    %swap3A_254 = tpu.vector_load %arg8[%swap3A_253] {strides = array<i32>} : memref<512xf32, #tpu.memory_space<vmem>>, vector<16xf32>,
    %swap3A_255 = vector.shape_cast %swap3A_254 : vector<16xf32> to vector<16xf32>
    %swap3A_256 = vector.shape_cast %mul3A_252 : vector<16xf32> to vector<16xf32>
    tpu.vector_store %arg8[%swap3A_253], %swap3A_256 {strides = array<i32>} : memref<512xf32, #tpu.memory_space<vmem>>, vector<16xf32>,
    %get3A_257 = arith.constant 224 : index
    %get3A_258 = tpu.vector_load %arg8[%get3A_257] {strides = array<i32>} : memref<512xf32, #tpu.memory_space<vmem>>, vector<16xf32>,
    %get3A_259 = vector.shape_cast %get3A_258 : vector<16xf32> to vector<16xf32>
    %get3A_260 = arith.constant 224 : index
    %get3A_261 = tpu.vector_load %arg7[%get3A_260] {strides = array<i32>} : memref<512xf32, #tpu.memory_space<vmem>>, vector<16xf32>,
    %get3A_262 = vector.shape_cast %get3A_261 : vector<16xf32> to vector<16xf32>
    %mul3A_263 = arith.mulf %get3A_259, %get3A_262 : vector<16xf32>
    %swap3A_264 = arith.constant 224 : index
    %swap3A_265 = tpu.vector_load %arg8[%swap3A_264] {strides = array<i32>} : memref<512xf32, #tpu.memory_space<vmem>>, vector<16xf32>,
    %swap3A_266 = vector.shape_cast %swap3A_265 : vector<16xf32> to vector<16xf32>
    %swap3A_267 = vector.shape_cast %mul3A_263 : vector<16xf32> to vector<16xf32>
    tpu.vector_store %arg8[%swap3A_264], %swap3A_267 {strides = array<i32>} : memref<512xf32, #tpu.memory_space<vmem>>, vector<16xf32>,
    %get3A_268 = arith.constant 240 : index
    %get3A_269 = tpu.vector_load %arg8[%get3A_268] {strides = array<i32>} : memref<512xf32, #tpu.memory_space<vmem>>, vector<16xf32>,
    %get3A_270 = vector.shape_cast %get3A_269 : vector<16xf32> to vector<16xf32>
    %get3A_271 = arith.constant 240 : index
    %get3A_272 = tpu.vector_load %arg7[%get3A_271] {strides = array<i32>} : memref<512xf32, #tpu.memory_space<vmem>>, vector<16xf32>,
    %get3A_273 = vector.shape_cast %get3A_272 : vector<16xf32> to vector<16xf32>
    %mul3A_274 = arith.mulf %get3A_270, %get3A_273 : vector<16xf32>
    %swap3A_275 = arith.constant 240 : index
    %swap3A_276 = tpu.vector_load %arg8[%swap3A_275] {strides = array<i32>} : memref<512xf32, #tpu.memory_space<vmem>>, vector<16xf32>,
    %swap3A_277 = vector.shape_cast %swap3A_276 : vector<16xf32> to vector<16xf32>
    %swap3A_278 = vector.shape_cast %mul3A_274 : vector<16xf32> to vector<16xf32>
    tpu.vector_store %arg8[%swap3A_275], %swap3A_278 {strides = array<i32>} : memref<512xf32, #tpu.memory_space<vmem>>, vector<16xf32>,
    %add3A_279 = arith.constant 128 : i32
    %add3A_280 = arith.addi %mul3A_2, %add3A_279 : i32
    %dma_start3A_281 = arith.constant 128 : i32
    %dma_start3A_282 = tpu.memref_slice %arg8[%dma_start3A_281] : memref<512xf32, #tpu.memory_space<vmem>> -> memref<128xf32, #tpu.memory_space<vmem>>
    %dma_start3A_283 = tpu.memref_slice %arg5[%add3A_280] : memref<16384xf32, #tpu.memory_space<hbm>> -> memref<128xf32, #tpu.memory_space<hbm>>
    %dma_start3A_284 = tpu.memref_slice %arg5[%add3A_280] : memref<16384xf32, #tpu.memory_space<hbm>> -> memref<128xf32, #tpu.memory_space<hbm>>
    %dma_start3A_285 = arith.constant 128 : i32
    %dma_start3A_286 = tpu.memref_slice %arg8[%dma_start3A_285] : memref<512xf32, #tpu.memory_space<vmem>> -> memref<128xf32, #tpu.memory_space<vmem>>
    tpu.enqueue_dma source(%dma_start3A_286 : memref<128xf32, #tpu.memory_space<vmem>>) target(%dma_start3A_284 : memref<128xf32, #tpu.memory_space<hbm>>) target_semaphore(%arg18 : memref<!tpu.dma_semaphore, #tpu.memory_space<semaphore_mem>>)
    %dma_wait3A_287 = arith.constant 256 : i32
    %dma_wait3A_288 = tpu.memref_slice %arg7[%dma_wait3A_287] : memref<512xf32, #tpu.memory_space<vmem>> -> memref<128xf32, #tpu.memory_space<vmem>>
    %dma_wait3A_289 = arith.constant 256 : i32
    %dma_wait3A_290 = tpu.memref_slice %arg6[%dma_wait3A_289] : memref<512xi32, #tpu.memory_space<vmem>> -> memref<128xi32, #tpu.memory_space<vmem>>
    %dma_wait3A_291 = arith.constant 0 : i32
    %dma_wait3A_292 = tpu.memref_slice %arg4[%dma_wait3A_291] : memref<100000xf32, #tpu.memory_space<hbm>> -> memref<100000xf32, #tpu.memory_space<hbm>>
    tpu.wait_indirect_dma semaphore(%arg15 : memref<!tpu.dma_semaphore, #tpu.memory_space<semaphore_mem>>) src(%dma_wait3A_292 : memref<100000xf32, #tpu.memory_space<hbm>>) dst(%dma_wait3A_288 : memref<128xf32, #tpu.memory_space<vmem>>)
    %get3A_293 = arith.constant 256 : index
    %get3A_294 = tpu.vector_load %arg8[%get3A_293] {strides = array<i32>} : memref<512xf32, #tpu.memory_space<vmem>>, vector<16xf32>,
    %get3A_295 = vector.shape_cast %get3A_294 : vector<16xf32> to vector<16xf32>
    %get3A_296 = arith.constant 256 : index
    %get3A_297 = tpu.vector_load %arg7[%get3A_296] {strides = array<i32>} : memref<512xf32, #tpu.memory_space<vmem>>, vector<16xf32>,
    %get3A_298 = vector.shape_cast %get3A_297 : vector<16xf32> to vector<16xf32>
    %mul3A_299 = arith.mulf %get3A_295, %get3A_298 : vector<16xf32>
    %swap3A_300 = arith.constant 256 : index
    %swap3A_301 = tpu.vector_load %arg8[%swap3A_300] {strides = array<i32>} : memref<512xf32, #tpu.memory_space<vmem>>, vector<16xf32>,
    %swap3A_302 = vector.shape_cast %swap3A_301 : vector<16xf32> to vector<16xf32>
    %swap3A_303 = vector.shape_cast %mul3A_299 : vector<16xf32> to vector<16xf32>
    tpu.vector_store %arg8[%swap3A_300], %swap3A_303 {strides = array<i32>} : memref<512xf32, #tpu.memory_space<vmem>>, vector<16xf32>,
    %get3A_304 = arith.constant 272 : index
    %get3A_305 = tpu.vector_load %arg8[%get3A_304] {strides = array<i32>} : memref<512xf32, #tpu.memory_space<vmem>>, vector<16xf32>,
    %get3A_306 = vector.shape_cast %get3A_305 : vector<16xf32> to vector<16xf32>
    %get3A_307 = arith.constant 272 : index
    %get3A_308 = tpu.vector_load %arg7[%get3A_307] {strides = array<i32>} : memref<512xf32, #tpu.memory_space<vmem>>, vector<16xf32>,
    %get3A_309 = vector.shape_cast %get3A_308 : vector<16xf32> to vector<16xf32>
    %mul3A_310 = arith.mulf %get3A_306, %get3A_309 : vector<16xf32>
    %swap3A_311 = arith.constant 272 : index
    %swap3A_312 = tpu.vector_load %arg8[%swap3A_311] {strides = array<i32>} : memref<512xf32, #tpu.memory_space<vmem>>, vector<16xf32>,
    %swap3A_313 = vector.shape_cast %swap3A_312 : vector<16xf32> to vector<16xf32>
    %swap3A_314 = vector.shape_cast %mul3A_310 : vector<16xf32> to vector<16xf32>
    tpu.vector_store %arg8[%swap3A_311], %swap3A_314 {strides = array<i32>} : memref<512xf32, #tpu.memory_space<vmem>>, vector<16xf32>,
    %get3A_315 = arith.constant 288 : index
    %get3A_316 = tpu.vector_load %arg8[%get3A_315] {strides = array<i32>} : memref<512xf32, #tpu.memory_space<vmem>>, vector<16xf32>,
    %get3A_317 = vector.shape_cast %get3A_316 : vector<16xf32> to vector<16xf32>
    %get3A_318 = arith.constant 288 : index
    %get3A_319 = tpu.vector_load %arg7[%get3A_318] {strides = array<i32>} : memref<512xf32, #tpu.memory_space<vmem>>, vector<16xf32>,
    %get3A_320 = vector.shape_cast %get3A_319 : vector<16xf32> to vector<16xf32>
    %mul3A_321 = arith.mulf %get3A_317, %get3A_320 : vector<16xf32>
    %swap3A_322 = arith.constant 288 : index
    %swap3A_323 = tpu.vector_load %arg8[%swap3A_322] {strides = array<i32>} : memref<512xf32, #tpu.memory_space<vmem>>, vector<16xf32>,
    %swap3A_324 = vector.shape_cast %swap3A_323 : vector<16xf32> to vector<16xf32>
    %swap3A_325 = vector.shape_cast %mul3A_321 : vector<16xf32> to vector<16xf32>
    tpu.vector_store %arg8[%swap3A_322], %swap3A_325 {strides = array<i32>} : memref<512xf32, #tpu.memory_space<vmem>>, vector<16xf32>,
    %get3A_326 = arith.constant 304 : index
    %get3A_327 = tpu.vector_load %arg8[%get3A_326] {strides = array<i32>} : memref<512xf32, #tpu.memory_space<vmem>>, vector<16xf32>,
    %get3A_328 = vector.shape_cast %get3A_327 : vector<16xf32> to vector<16xf32>
    %get3A_329 = arith.constant 304 : index
    %get3A_330 = tpu.vector_load %arg7[%get3A_329] {strides = array<i32>} : memref<512xf32, #tpu.memory_space<vmem>>, vector<16xf32>,
    %get3A_331 = vector.shape_cast %get3A_330 : vector<16xf32> to vector<16xf32>
    %mul3A_332 = arith.mulf %get3A_328, %get3A_331 : vector<16xf32>
    %swap3A_333 = arith.constant 304 : index
    %swap3A_334 = tpu.vector_load %arg8[%swap3A_333] {strides = array<i32>} : memref<512xf32, #tpu.memory_space<vmem>>, vector<16xf32>,
    %swap3A_335 = vector.shape_cast %swap3A_334 : vector<16xf32> to vector<16xf32>
    %swap3A_336 = vector.shape_cast %mul3A_332 : vector<16xf32> to vector<16xf32>
    tpu.vector_store %arg8[%swap3A_333], %swap3A_336 {strides = array<i32>} : memref<512xf32, #tpu.memory_space<vmem>>, vector<16xf32>,
    %get3A_337 = arith.constant 320 : index
    %get3A_338 = tpu.vector_load %arg8[%get3A_337] {strides = array<i32>} : memref<512xf32, #tpu.memory_space<vmem>>, vector<16xf32>,
    %get3A_339 = vector.shape_cast %get3A_338 : vector<16xf32> to vector<16xf32>
    %get3A_340 = arith.constant 320 : index
    %get3A_341 = tpu.vector_load %arg7[%get3A_340] {strides = array<i32>} : memref<512xf32, #tpu.memory_space<vmem>>, vector<16xf32>,
    %get3A_342 = vector.shape_cast %get3A_341 : vector<16xf32> to vector<16xf32>
    %mul3A_343 = arith.mulf %get3A_339, %get3A_342 : vector<16xf32>
    %swap3A_344 = arith.constant 320 : index
    %swap3A_345 = tpu.vector_load %arg8[%swap3A_344] {strides = array<i32>} : memref<512xf32, #tpu.memory_space<vmem>>, vector<16xf32>,
    %swap3A_346 = vector.shape_cast %swap3A_345 : vector<16xf32> to vector<16xf32>
    %swap3A_347 = vector.shape_cast %mul3A_343 : vector<16xf32> to vector<16xf32>
    tpu.vector_store %arg8[%swap3A_344], %swap3A_347 {strides = array<i32>} : memref<512xf32, #tpu.memory_space<vmem>>, vector<16xf32>,
    %get3A_348 = arith.constant 336 : index
    %get3A_349 = tpu.vector_load %arg8[%get3A_348] {strides = array<i32>} : memref<512xf32, #tpu.memory_space<vmem>>, vector<16xf32>,
    %get3A_350 = vector.shape_cast %get3A_349 : vector<16xf32> to vector<16xf32>
    %get3A_351 = arith.constant 336 : index
    %get3A_352 = tpu.vector_load %arg7[%get3A_351] {strides = array<i32>} : memref<512xf32, #tpu.memory_space<vmem>>, vector<16xf32>,
    %get3A_353 = vector.shape_cast %get3A_352 : vector<16xf32> to vector<16xf32>
    %mul3A_354 = arith.mulf %get3A_350, %get3A_353 : vector<16xf32>
    %swap3A_355 = arith.constant 336 : index
    %swap3A_356 = tpu.vector_load %arg8[%swap3A_355] {strides = array<i32>} : memref<512xf32, #tpu.memory_space<vmem>>, vector<16xf32>,
    %swap3A_357 = vector.shape_cast %swap3A_356 : vector<16xf32> to vector<16xf32>
    %swap3A_358 = vector.shape_cast %mul3A_354 : vector<16xf32> to vector<16xf32>
    tpu.vector_store %arg8[%swap3A_355], %swap3A_358 {strides = array<i32>} : memref<512xf32, #tpu.memory_space<vmem>>, vector<16xf32>,
    %get3A_359 = arith.constant 352 : index
    %get3A_360 = tpu.vector_load %arg8[%get3A_359] {strides = array<i32>} : memref<512xf32, #tpu.memory_space<vmem>>, vector<16xf32>,
    %get3A_361 = vector.shape_cast %get3A_360 : vector<16xf32> to vector<16xf32>
    %get3A_362 = arith.constant 352 : index
    %get3A_363 = tpu.vector_load %arg7[%get3A_362] {strides = array<i32>} : memref<512xf32, #tpu.memory_space<vmem>>, vector<16xf32>,
    %get3A_364 = vector.shape_cast %get3A_363 : vector<16xf32> to vector<16xf32>
    %mul3A_365 = arith.mulf %get3A_361, %get3A_364 : vector<16xf32>
    %swap3A_366 = arith.constant 352 : index
    %swap3A_367 = tpu.vector_load %arg8[%swap3A_366] {strides = array<i32>} : memref<512xf32, #tpu.memory_space<vmem>>, vector<16xf32>,
    %swap3A_368 = vector.shape_cast %swap3A_367 : vector<16xf32> to vector<16xf32>
    %swap3A_369 = vector.shape_cast %mul3A_365 : vector<16xf32> to vector<16xf32>
    tpu.vector_store %arg8[%swap3A_366], %swap3A_369 {strides = array<i32>} : memref<512xf32, #tpu.memory_space<vmem>>, vector<16xf32>,
    %get3A_370 = arith.constant 368 : index
    %get3A_371 = tpu.vector_load %arg8[%get3A_370] {strides = array<i32>} : memref<512xf32, #tpu.memory_space<vmem>>, vector<16xf32>,
    %get3A_372 = vector.shape_cast %get3A_371 : vector<16xf32> to vector<16xf32>
    %get3A_373 = arith.constant 368 : index
    %get3A_374 = tpu.vector_load %arg7[%get3A_373] {strides = array<i32>} : memref<512xf32, #tpu.memory_space<vmem>>, vector<16xf32>,
    %get3A_375 = vector.shape_cast %get3A_374 : vector<16xf32> to vector<16xf32>
    %mul3A_376 = arith.mulf %get3A_372, %get3A_375 : vector<16xf32>
    %swap3A_377 = arith.constant 368 : index
    %swap3A_378 = tpu.vector_load %arg8[%swap3A_377] {strides = array<i32>} : memref<512xf32, #tpu.memory_space<vmem>>, vector<16xf32>,
    %swap3A_379 = vector.shape_cast %swap3A_378 : vector<16xf32> to vector<16xf32>
    %swap3A_380 = vector.shape_cast %mul3A_376 : vector<16xf32> to vector<16xf32>
    tpu.vector_store %arg8[%swap3A_377], %swap3A_380 {strides = array<i32>} : memref<512xf32, #tpu.memory_space<vmem>>, vector<16xf32>,
    %add3A_381 = arith.constant 256 : i32
    %add3A_382 = arith.addi %mul3A_2, %add3A_381 : i32
    %dma_start3A_383 = arith.constant 256 : i32
    %dma_start3A_384 = tpu.memref_slice %arg8[%dma_start3A_383] : memref<512xf32, #tpu.memory_space<vmem>> -> memref<128xf32, #tpu.memory_space<vmem>>
    %dma_start3A_385 = tpu.memref_slice %arg5[%add3A_382] : memref<16384xf32, #tpu.memory_space<hbm>> -> memref<128xf32, #tpu.memory_space<hbm>>
    %dma_start3A_386 = tpu.memref_slice %arg5[%add3A_382] : memref<16384xf32, #tpu.memory_space<hbm>> -> memref<128xf32, #tpu.memory_space<hbm>>
    %dma_start3A_387 = arith.constant 256 : i32
    %dma_start3A_388 = tpu.memref_slice %arg8[%dma_start3A_387] : memref<512xf32, #tpu.memory_space<vmem>> -> memref<128xf32, #tpu.memory_space<vmem>>
    tpu.enqueue_dma source(%dma_start3A_388 : memref<128xf32, #tpu.memory_space<vmem>>) target(%dma_start3A_386 : memref<128xf32, #tpu.memory_space<hbm>>) target_semaphore(%arg18 : memref<!tpu.dma_semaphore, #tpu.memory_space<semaphore_mem>>)
    %dma_wait3A_389 = arith.constant 384 : i32
    %dma_wait3A_390 = tpu.memref_slice %arg7[%dma_wait3A_389] : memref<512xf32, #tpu.memory_space<vmem>> -> memref<128xf32, #tpu.memory_space<vmem>>
    %dma_wait3A_391 = arith.constant 384 : i32
    %dma_wait3A_392 = tpu.memref_slice %arg6[%dma_wait3A_391] : memref<512xi32, #tpu.memory_space<vmem>> -> memref<128xi32, #tpu.memory_space<vmem>>
    %dma_wait3A_393 = arith.constant 0 : i32
    %dma_wait3A_394 = tpu.memref_slice %arg4[%dma_wait3A_393] : memref<100000xf32, #tpu.memory_space<hbm>> -> memref<100000xf32, #tpu.memory_space<hbm>>
    tpu.wait_indirect_dma semaphore(%arg16 : memref<!tpu.dma_semaphore, #tpu.memory_space<semaphore_mem>>) src(%dma_wait3A_394 : memref<100000xf32, #tpu.memory_space<hbm>>) dst(%dma_wait3A_390 : memref<128xf32, #tpu.memory_space<vmem>>)
    %get3A_395 = arith.constant 384 : index
    %get3A_396 = tpu.vector_load %arg8[%get3A_395] {strides = array<i32>} : memref<512xf32, #tpu.memory_space<vmem>>, vector<16xf32>,
    %get3A_397 = vector.shape_cast %get3A_396 : vector<16xf32> to vector<16xf32>
    %get3A_398 = arith.constant 384 : index
    %get3A_399 = tpu.vector_load %arg7[%get3A_398] {strides = array<i32>} : memref<512xf32, #tpu.memory_space<vmem>>, vector<16xf32>,
    %get3A_400 = vector.shape_cast %get3A_399 : vector<16xf32> to vector<16xf32>
    %mul3A_401 = arith.mulf %get3A_397, %get3A_400 : vector<16xf32>
    %swap3A_402 = arith.constant 384 : index
    %swap3A_403 = tpu.vector_load %arg8[%swap3A_402] {strides = array<i32>} : memref<512xf32, #tpu.memory_space<vmem>>, vector<16xf32>,
    %swap3A_404 = vector.shape_cast %swap3A_403 : vector<16xf32> to vector<16xf32>
    %swap3A_405 = vector.shape_cast %mul3A_401 : vector<16xf32> to vector<16xf32>
    tpu.vector_store %arg8[%swap3A_402], %swap3A_405 {strides = array<i32>} : memref<512xf32, #tpu.memory_space<vmem>>, vector<16xf32>,
    %get3A_406 = arith.constant 400 : index
    %get3A_407 = tpu.vector_load %arg8[%get3A_406] {strides = array<i32>} : memref<512xf32, #tpu.memory_space<vmem>>, vector<16xf32>,
    %get3A_408 = vector.shape_cast %get3A_407 : vector<16xf32> to vector<16xf32>
    %get3A_409 = arith.constant 400 : index
    %get3A_410 = tpu.vector_load %arg7[%get3A_409] {strides = array<i32>} : memref<512xf32, #tpu.memory_space<vmem>>, vector<16xf32>,
    %get3A_411 = vector.shape_cast %get3A_410 : vector<16xf32> to vector<16xf32>
    %mul3A_412 = arith.mulf %get3A_408, %get3A_411 : vector<16xf32>
    %swap3A_413 = arith.constant 400 : index
    %swap3A_414 = tpu.vector_load %arg8[%swap3A_413] {strides = array<i32>} : memref<512xf32, #tpu.memory_space<vmem>>, vector<16xf32>,
    %swap3A_415 = vector.shape_cast %swap3A_414 : vector<16xf32> to vector<16xf32>
    %swap3A_416 = vector.shape_cast %mul3A_412 : vector<16xf32> to vector<16xf32>
    tpu.vector_store %arg8[%swap3A_413], %swap3A_416 {strides = array<i32>} : memref<512xf32, #tpu.memory_space<vmem>>, vector<16xf32>,
    %get3A_417 = arith.constant 416 : index
    %get3A_418 = tpu.vector_load %arg8[%get3A_417] {strides = array<i32>} : memref<512xf32, #tpu.memory_space<vmem>>, vector<16xf32>,
    %get3A_419 = vector.shape_cast %get3A_418 : vector<16xf32> to vector<16xf32>
    %get3A_420 = arith.constant 416 : index
    %get3A_421 = tpu.vector_load %arg7[%get3A_420] {strides = array<i32>} : memref<512xf32, #tpu.memory_space<vmem>>, vector<16xf32>,
    %get3A_422 = vector.shape_cast %get3A_421 : vector<16xf32> to vector<16xf32>
    %mul3A_423 = arith.mulf %get3A_419, %get3A_422 : vector<16xf32>
    %swap3A_424 = arith.constant 416 : index
    %swap3A_425 = tpu.vector_load %arg8[%swap3A_424] {strides = array<i32>} : memref<512xf32, #tpu.memory_space<vmem>>, vector<16xf32>,
    %swap3A_426 = vector.shape_cast %swap3A_425 : vector<16xf32> to vector<16xf32>
    %swap3A_427 = vector.shape_cast %mul3A_423 : vector<16xf32> to vector<16xf32>
    tpu.vector_store %arg8[%swap3A_424], %swap3A_427 {strides = array<i32>} : memref<512xf32, #tpu.memory_space<vmem>>, vector<16xf32>,
    %get3A_428 = arith.constant 432 : index
    %get3A_429 = tpu.vector_load %arg8[%get3A_428] {strides = array<i32>} : memref<512xf32, #tpu.memory_space<vmem>>, vector<16xf32>,
    %get3A_430 = vector.shape_cast %get3A_429 : vector<16xf32> to vector<16xf32>
    %get3A_431 = arith.constant 432 : index
    %get3A_432 = tpu.vector_load %arg7[%get3A_431] {strides = array<i32>} : memref<512xf32, #tpu.memory_space<vmem>>, vector<16xf32>,
    %get3A_433 = vector.shape_cast %get3A_432 : vector<16xf32> to vector<16xf32>
    %mul3A_434 = arith.mulf %get3A_430, %get3A_433 : vector<16xf32>
    %swap3A_435 = arith.constant 432 : index
    %swap3A_436 = tpu.vector_load %arg8[%swap3A_435] {strides = array<i32>} : memref<512xf32, #tpu.memory_space<vmem>>, vector<16xf32>,
    %swap3A_437 = vector.shape_cast %swap3A_436 : vector<16xf32> to vector<16xf32>
    %swap3A_438 = vector.shape_cast %mul3A_434 : vector<16xf32> to vector<16xf32>
    tpu.vector_store %arg8[%swap3A_435], %swap3A_438 {strides = array<i32>} : memref<512xf32, #tpu.memory_space<vmem>>, vector<16xf32>,
    %get3A_439 = arith.constant 448 : index
    %get3A_440 = tpu.vector_load %arg8[%get3A_439] {strides = array<i32>} : memref<512xf32, #tpu.memory_space<vmem>>, vector<16xf32>,
    %get3A_441 = vector.shape_cast %get3A_440 : vector<16xf32> to vector<16xf32>
    %get3A_442 = arith.constant 448 : index
    %get3A_443 = tpu.vector_load %arg7[%get3A_442] {strides = array<i32>} : memref<512xf32, #tpu.memory_space<vmem>>, vector<16xf32>,
    %get3A_444 = vector.shape_cast %get3A_443 : vector<16xf32> to vector<16xf32>
    %mul3A_445 = arith.mulf %get3A_441, %get3A_444 : vector<16xf32>
    %swap3A_446 = arith.constant 448 : index
    %swap3A_447 = tpu.vector_load %arg8[%swap3A_446] {strides = array<i32>} : memref<512xf32, #tpu.memory_space<vmem>>, vector<16xf32>,
    %swap3A_448 = vector.shape_cast %swap3A_447 : vector<16xf32> to vector<16xf32>
    %swap3A_449 = vector.shape_cast %mul3A_445 : vector<16xf32> to vector<16xf32>
    tpu.vector_store %arg8[%swap3A_446], %swap3A_449 {strides = array<i32>} : memref<512xf32, #tpu.memory_space<vmem>>, vector<16xf32>,
    %get3A_450 = arith.constant 464 : index
    %get3A_451 = tpu.vector_load %arg8[%get3A_450] {strides = array<i32>} : memref<512xf32, #tpu.memory_space<vmem>>, vector<16xf32>,
    %get3A_452 = vector.shape_cast %get3A_451 : vector<16xf32> to vector<16xf32>
    %get3A_453 = arith.constant 464 : index
    %get3A_454 = tpu.vector_load %arg7[%get3A_453] {strides = array<i32>} : memref<512xf32, #tpu.memory_space<vmem>>, vector<16xf32>,
    %get3A_455 = vector.shape_cast %get3A_454 : vector<16xf32> to vector<16xf32>
    %mul3A_456 = arith.mulf %get3A_452, %get3A_455 : vector<16xf32>
    %swap3A_457 = arith.constant 464 : index
    %swap3A_458 = tpu.vector_load %arg8[%swap3A_457] {strides = array<i32>} : memref<512xf32, #tpu.memory_space<vmem>>, vector<16xf32>,
    %swap3A_459 = vector.shape_cast %swap3A_458 : vector<16xf32> to vector<16xf32>
    %swap3A_460 = vector.shape_cast %mul3A_456 : vector<16xf32> to vector<16xf32>
    tpu.vector_store %arg8[%swap3A_457], %swap3A_460 {strides = array<i32>} : memref<512xf32, #tpu.memory_space<vmem>>, vector<16xf32>,
    %get3A_461 = arith.constant 480 : index
    %get3A_462 = tpu.vector_load %arg8[%get3A_461] {strides = array<i32>} : memref<512xf32, #tpu.memory_space<vmem>>, vector<16xf32>,
    %get3A_463 = vector.shape_cast %get3A_462 : vector<16xf32> to vector<16xf32>
    %get3A_464 = arith.constant 480 : index
    %get3A_465 = tpu.vector_load %arg7[%get3A_464] {strides = array<i32>} : memref<512xf32, #tpu.memory_space<vmem>>, vector<16xf32>,
    %get3A_466 = vector.shape_cast %get3A_465 : vector<16xf32> to vector<16xf32>
    %mul3A_467 = arith.mulf %get3A_463, %get3A_466 : vector<16xf32>
    %swap3A_468 = arith.constant 480 : index
    %swap3A_469 = tpu.vector_load %arg8[%swap3A_468] {strides = array<i32>} : memref<512xf32, #tpu.memory_space<vmem>>, vector<16xf32>,
    %swap3A_470 = vector.shape_cast %swap3A_469 : vector<16xf32> to vector<16xf32>
    %swap3A_471 = vector.shape_cast %mul3A_467 : vector<16xf32> to vector<16xf32>
    tpu.vector_store %arg8[%swap3A_468], %swap3A_471 {strides = array<i32>} : memref<512xf32, #tpu.memory_space<vmem>>, vector<16xf32>,
    %get3A_472 = arith.constant 496 : index
    %get3A_473 = tpu.vector_load %arg8[%get3A_472] {strides = array<i32>} : memref<512xf32, #tpu.memory_space<vmem>>, vector<16xf32>,
    %get3A_474 = vector.shape_cast %get3A_473 : vector<16xf32> to vector<16xf32>
    %get3A_475 = arith.constant 496 : index
    %get3A_476 = tpu.vector_load %arg7[%get3A_475] {strides = array<i32>} : memref<512xf32, #tpu.memory_space<vmem>>, vector<16xf32>,
    %get3A_477 = vector.shape_cast %get3A_476 : vector<16xf32> to vector<16xf32>
    %mul3A_478 = arith.mulf %get3A_474, %get3A_477 : vector<16xf32>
    %swap3A_479 = arith.constant 496 : index
    %swap3A_480 = tpu.vector_load %arg8[%swap3A_479] {strides = array<i32>} : memref<512xf32, #tpu.memory_space<vmem>>, vector<16xf32>,
    %swap3A_481 = vector.shape_cast %swap3A_480 : vector<16xf32> to vector<16xf32>
    %swap3A_482 = vector.shape_cast %mul3A_478 : vector<16xf32> to vector<16xf32>
    tpu.vector_store %arg8[%swap3A_479], %swap3A_482 {strides = array<i32>} : memref<512xf32, #tpu.memory_space<vmem>>, vector<16xf32>,
    %add3A_483 = arith.constant 384 : i32
    %add3A_484 = arith.addi %mul3A_2, %add3A_483 : i32
    %dma_start3A_485 = arith.constant 384 : i32
    %dma_start3A_486 = tpu.memref_slice %arg8[%dma_start3A_485] : memref<512xf32, #tpu.memory_space<vmem>> -> memref<128xf32, #tpu.memory_space<vmem>>
    %dma_start3A_487 = tpu.memref_slice %arg5[%add3A_484] : memref<16384xf32, #tpu.memory_space<hbm>> -> memref<128xf32, #tpu.memory_space<hbm>>
    %dma_start3A_488 = tpu.memref_slice %arg5[%add3A_484] : memref<16384xf32, #tpu.memory_space<hbm>> -> memref<128xf32, #tpu.memory_space<hbm>>
    %dma_start3A_489 = arith.constant 384 : i32
    %dma_start3A_490 = tpu.memref_slice %arg8[%dma_start3A_489] : memref<512xf32, #tpu.memory_space<vmem>> -> memref<128xf32, #tpu.memory_space<vmem>>
    tpu.enqueue_dma source(%dma_start3A_490 : memref<128xf32, #tpu.memory_space<vmem>>) target(%dma_start3A_488 : memref<128xf32, #tpu.memory_space<hbm>>) target_semaphore(%arg18 : memref<!tpu.dma_semaphore, #tpu.memory_space<semaphore_mem>>)
    %dma_wait3A_491 = arith.constant 0 : i32
    %dma_wait3A_492 = tpu.memref_slice %arg8[%dma_wait3A_491] : memref<512xf32, #tpu.memory_space<vmem>> -> memref<128xf32, #tpu.memory_space<vmem>>
    %dma_wait3A_493 = tpu.memref_slice %arg5[%add3A_178] : memref<16384xf32, #tpu.memory_space<hbm>> -> memref<128xf32, #tpu.memory_space<hbm>>
    %dma_wait3A_494 = tpu.memref_slice %arg5[%add3A_178] : memref<16384xf32, #tpu.memory_space<hbm>> -> memref<128xf32, #tpu.memory_space<hbm>>
    %dma_wait3A_495 = arith.constant 0 : i32
    %dma_wait3A_496 = tpu.memref_slice %arg8[%dma_wait3A_495] : memref<512xf32, #tpu.memory_space<vmem>> -> memref<128xf32, #tpu.memory_space<vmem>>
    tpu.wait_dma2 semaphore(%arg18 : memref<!tpu.dma_semaphore, #tpu.memory_space<semaphore_mem>>) src(%dma_wait3A_496 : memref<128xf32, #tpu.memory_space<vmem>>) dst(%dma_wait3A_494 : memref<128xf32, #tpu.memory_space<hbm>>)
    %dma_wait3A_497 = arith.constant 128 : i32
    %dma_wait3A_498 = tpu.memref_slice %arg8[%dma_wait3A_497] : memref<512xf32, #tpu.memory_space<vmem>> -> memref<128xf32, #tpu.memory_space<vmem>>
    %dma_wait3A_499 = tpu.memref_slice %arg5[%add3A_280] : memref<16384xf32, #tpu.memory_space<hbm>> -> memref<128xf32, #tpu.memory_space<hbm>>
    %dma_wait3A_500 = tpu.memref_slice %arg5[%add3A_280] : memref<16384xf32, #tpu.memory_space<hbm>> -> memref<128xf32, #tpu.memory_space<hbm>>
    %dma_wait3A_501 = arith.constant 128 : i32
    %dma_wait3A_502 = tpu.memref_slice %arg8[%dma_wait3A_501] : memref<512xf32, #tpu.memory_space<vmem>> -> memref<128xf32, #tpu.memory_space<vmem>>
    tpu.wait_dma2 semaphore(%arg18 : memref<!tpu.dma_semaphore, #tpu.memory_space<semaphore_mem>>) src(%dma_wait3A_502 : memref<128xf32, #tpu.memory_space<vmem>>) dst(%dma_wait3A_500 : memref<128xf32, #tpu.memory_space<hbm>>)
    %dma_wait3A_503 = arith.constant 256 : i32
    %dma_wait3A_504 = tpu.memref_slice %arg8[%dma_wait3A_503] : memref<512xf32, #tpu.memory_space<vmem>> -> memref<128xf32, #tpu.memory_space<vmem>>
    %dma_wait3A_505 = tpu.memref_slice %arg5[%add3A_382] : memref<16384xf32, #tpu.memory_space<hbm>> -> memref<128xf32, #tpu.memory_space<hbm>>
    %dma_wait3A_506 = tpu.memref_slice %arg5[%add3A_382] : memref<16384xf32, #tpu.memory_space<hbm>> -> memref<128xf32, #tpu.memory_space<hbm>>
    %dma_wait3A_507 = arith.constant 256 : i32
    %dma_wait3A_508 = tpu.memref_slice %arg8[%dma_wait3A_507] : memref<512xf32, #tpu.memory_space<vmem>> -> memref<128xf32, #tpu.memory_space<vmem>>
    tpu.wait_dma2 semaphore(%arg18 : memref<!tpu.dma_semaphore, #tpu.memory_space<semaphore_mem>>) src(%dma_wait3A_508 : memref<128xf32, #tpu.memory_space<vmem>>) dst(%dma_wait3A_506 : memref<128xf32, #tpu.memory_space<hbm>>)
    %dma_wait3A_509 = arith.constant 384 : i32
    %dma_wait3A_510 = tpu.memref_slice %arg8[%dma_wait3A_509] : memref<512xf32, #tpu.memory_space<vmem>> -> memref<128xf32, #tpu.memory_space<vmem>>
    %dma_wait3A_511 = tpu.memref_slice %arg5[%add3A_484] : memref<16384xf32, #tpu.memory_space<hbm>> -> memref<128xf32, #tpu.memory_space<hbm>>
    %dma_wait3A_512 = tpu.memref_slice %arg5[%add3A_484] : memref<16384xf32, #tpu.memory_space<hbm>> -> memref<128xf32, #tpu.memory_space<hbm>>
    %dma_wait3A_513 = arith.constant 384 : i32
    %dma_wait3A_514 = tpu.memref_slice %arg8[%dma_wait3A_513] : memref<512xf32, #tpu.memory_space<vmem>> -> memref<128xf32, #tpu.memory_space<vmem>>
    tpu.wait_dma2 semaphore(%arg18 : memref<!tpu.dma_semaphore, #tpu.memory_space<semaphore_mem>>) src(%dma_wait3A_514 : memref<128xf32, #tpu.memory_space<vmem>>) dst(%dma_wait3A_512 : memref<128xf32, #tpu.memory_space<hbm>>)
    return
  }
}

</mosaic_0001>

<sc_bundles>
// kernel: kernel.3.cloned.1.call-start
scs
__scs_entry_jumppad:
0x0: {  	(pc) =	sbr.rel $0x88, $3  }
0x1: {  	(tag) =	ssettag $0x0;
	lr =	simm.s32 $0x1  }
0x2: {  	[smem:$0x3F9E] =	sst lr;
	_ =	strace $0xD0000000  }
0x3: {  	_ = 	snop  }
0x4: {  	_ = 	snop  }
0x5: {  	_ = 	snop  }
0x6: {  	_ = 	snop  }
0x7: {  	_ = 	snop  }
__scs_overlays_trampoline_lowered:
0x8: {  	[smem:$0x3FAD] =	sst s0  }
0x9: {  	[smem:$0x3FAE] =	sst s1  }
0xa: {  	[smem:$0x3FAF] =	sst s2  }
0xb: {  	[smem:$0x3FB0] =	sst s3  }
0xc: {  	[smem:$0x3FB1] =	sst s4  }
0xd: {  	[smem:$0x3FB2] =	sst s5  }
0xe: {  	[smem:$0x3FB3] =	sst s6  }
0xf: {  	[smem:$0x3FB4] =	sst s7  }
0x10: {  	[smem:$0x3FB5] =	sst s8  }
0x11: {  	[smem:$0x3FB6] =	sst s9;
	s0 =	simm.s32 @!p0 $0x0  }
0x12: {  	s1 =	sld [smem:$0x3F9C];
	s0 =	simm.s32 @p0 $0x1  }
0x13: {  	[smem:$0x3FB7] =	sst s0;
	s0 =	simm.s32 @!p1 $0x0  }
0x14: {  	s2 =	sld [smem:$0x3F9B];
	s0 =	simm.s32 @p1 $0x1  }
0x15: {  	[smem:$0x3FB8] =	sst s0;
	s0 =	simm.s32 @!p2 $0x0  }
0x16: {  	s3 =	sld [smem:$0x3FDB];
	s0 =	simm.s32 @p2 $0x1  }
0x17: {  	s4 =	simm.s32 $0x1BF5;
	[smem:$0x3FBA] =	sst s0  }
0x18: {  	s0 =	sld [smem:$0x3F9D];
	_ =	swait.ge [sflag:s4], $0x0  }
0x19: {  	s7 =	sld [smem:$0x3F9E]  }
0x1a: {  	s8 =	sadd.s32 $0xFFFFE003, lr  }
0x1b: {  	s9 =	sadd.s32 $0xFFFFFEF7, lr;
	s5 =	simm.s32 $0xFFFFFFFF;
	p2 =	slt.u32 s8, $0xFFFFF086  }
0x1c: {  	p1 =	slt.u32 s9, $0xF7A;
	s5 =	simm.s32 @!p2 $0x0  }
0x1d: {  	s5 =	simm.s32 @p1 $0x1;
	p0 =	seq.s32 s7, s2  }
0x1e: {  	s7 =	smul.u32 @!p0 $0xF7A, s2;
	p2 =	seq.s32 @!p0 s5, $0x0  }
0x1f: {  	s9 =	smul.u32 $0xF7A, s1;
	s8 =	simm.s32 @!p0 $0x1BF5;
	p2 =	por !p2, p0  }
0x20: {  	[sflag:s8] =	ssyncset.s32 @!p0 $0xFFFFF086;
	s6 =	sadd.s32 @!p0 s3, s7;
	s7 =	simm.s32 @!p0 $0x108  }
0x21: {  	s3 =	sadd.s32 s3, s9;
	s6 =	sadd.s32 @!p0 $0x88, s6;
	s7 =	simm.s32 @p2 $0x1082  }
0x22: {  	[simem:s7], [sflag:s8] =	dma.local @!p0 [hbm:s6], $0xF7A  }
0x23: {  	s9 =	sor.u32 $0xD0000000, s2;
	s6 =	simm.s32 $0x108;
	_ =	swait.ge @!p0 [sflag:s8], $0x0  }
0x24: {  	s3 =	sadd.s32 $0x88, s3;
	s6 =	simm.s32 @!p1 $0x1082;
	[sflag:s4] =	ssyncset.s32 $0xFFFFF086  }
0x25: {  	[simem:s6], [sflag:s4] =	dma.local [hbm:s3], $0xF7A  }
0x26: {  	[smem:$0x3F9E] =	sst s1;
	(tag) =	ssettag s2;
	_ =	strace s9  }
0x27: {  	s1 =	sld [smem:$0x3FAE]  }
0x28: {  	s2 =	sld [smem:$0x3FAF]  }
0x29: {  	s4 =	sld [smem:$0x3FB1]  }
0x2a: {  	p0 =	seq.s32 s5, $0x0;
	s5 =	sld [smem:$0x3FB2]  }
0x2b: {  	s6 =	sld [smem:$0x3FB3]  }
0x2c: {  	s7 =	sld [smem:$0x3FB4]  }
0x2d: {  	s3 =	simm.s32 $0x108;
	s8 =	sld [smem:$0x3FB5]  }
0x2e: {  	s3 =	simm.s32 @!p0 $0x1082;
	s9 =	sld [smem:$0x3FB6]  }
0x2f: {  	lr =	sadd.s32 s0, s3;
	s0 =	sld [smem:$0x3FAD]  }
0x30: {  	s3 =	sld [smem:$0x3FB0]  }
0x31: {  	[smem:$0x3FB9] =	sst s10  }
0x32: {  	s10 =	sld [smem:$0x3FB7];
	_ =	sdelay $0x3  }
0x33: {  	p0 =	seq.s32 s10, $0x1;
	s10 =	sld [smem:$0x3FB9];
	_ =	sdelay $0x3  }
0x34: {  	[smem:$0x3FB9] =	sst s10  }
0x35: {  	s10 =	sld [smem:$0x3FB8];
	_ =	sdelay $0x3  }
0x36: {  	p1 =	seq.s32 s10, $0x1;
	s10 =	sld [smem:$0x3FB9];
	_ =	sdelay $0x3  }
0x37: {  	[smem:$0x3FB9] =	sst s10  }
0x38: {  	s10 =	sld [smem:$0x3FBA]  }
0x39: {  	_ = 	snop;
	(pc) =	sbr.ind lr, $3  }
0x3a: {  	_ = 	snop  }
0x3b: {  	_ = 	snop  }
0x3c: {  	p2 =	seq.s32 s10, $0x1;
	s10 =	sld [smem:$0x3FB9]  }
0x3d: {  	_ =	shalt  }
0x3e: {  	_ =	shalt  }
0x3f: {  	_ =	shalt  }
0x40: {  	_ =	shalt  }
0x41: {  	_ =	shalt  }
0x42: {  	_ =	shalt  }
0x43: {  	_ =	shalt  }
0x44: {  	_ =	shalt  }
0x45: {  	_ =	shalt  }
0x46: {  	_ =	shalt  }
0x47: {  	_ =	shalt  }
0x48: {  	_ =	shalt  }
0x49: {  	_ =	shalt  }
0x4a: {  	_ =	shalt  }
0x4b: {  	_ =	shalt  }
0x4c: {  	_ =	shalt  }
0x4d: {  	_ =	shalt  }
0x4e: {  	_ =	shalt  }
0x4f: {  	_ =	shalt  }
0x50: {  	_ =	shalt  }
0x51: {  	_ =	shalt  }
0x52: {  	_ =	shalt  }
0x53: {  	_ =	shalt  }
0x54: {  	_ =	shalt  }
0x55: {  	_ =	shalt  }
0x56: {  	_ =	shalt  }
0x57: {  	_ =	shalt  }
0x58: {  	_ =	shalt  }
0x59: {  	_ =	shalt  }
0x5a: {  	_ =	shalt  }
0x5b: {  	_ =	shalt  }
0x5c: {  	_ =	shalt  }
0x5d: {  	_ =	shalt  }
0x5e: {  	_ =	shalt  }
0x5f: {  	_ =	shalt  }
0x60: {  	_ =	shalt  }
0x61: {  	_ =	shalt  }
0x62: {  	_ =	shalt  }
0x63: {  	_ =	shalt  }
0x64: {  	_ =	shalt  }
0x65: {  	_ =	shalt  }
0x66: {  	_ =	shalt  }
0x67: {  	_ =	shalt  }
0x68: {  	_ =	shalt  }
0x69: {  	_ =	shalt  }
0x6a: {  	_ =	shalt  }
0x6b: {  	_ =	shalt  }
0x6c: {  	_ =	shalt  }
0x6d: {  	_ =	shalt  }
0x6e: {  	_ =	shalt  }
0x6f: {  	_ =	shalt  }
0x70: {  	_ =	shalt  }
0x71: {  	_ =	shalt  }
0x72: {  	_ =	shalt  }
0x73: {  	_ =	shalt  }
0x74: {  	_ =	shalt  }
0x75: {  	_ =	shalt  }
0x76: {  	_ =	shalt  }
0x77: {  	_ =	shalt  }
0x78: {  	_ =	shalt  }
0x79: {  	_ =	shalt  }
0x7a: {  	_ =	shalt  }
0x7b: {  	_ =	shalt  }
0x7c: {  	_ =	shalt  }
0x7d: {  	_ =	shalt  }
0x7e: {  	_ =	shalt  }
0x7f: {  	_ =	shalt  }
0x80: {  	_ =	shalt  }
0x81: {  	_ =	shalt  }
0x82: {  	_ =	shalt  }
0x83: {  	_ =	shalt  }
0x84: {  	_ =	shalt  }
0x85: {  	_ =	shalt  }
0x86: {  	_ =	shalt  }
0x87: {  	_ =	shalt  }
.Lfunc_end0:
.L_simem_size_0:
called_computation_lowered:
.L_overlay_start_0:
0x88: {  	s2 =	sld [smem:$0x3FD9]  }
0x89: {  	s3 =	sld [smem:$0x3FFE];
	_ =	sdelay $0x1  }
0x8a: {  	s1 =	srdreg.scid  }
0x8b: {  	s0 =	sand.u32 $0x1, s1  }
0x8c: {  	s18 =	sshll.u32 s0, $0xA;
	s2 =	sadd.s32 s3, s2  }
0x8d: {  	s2 =	sadd.s32 s2, s18  }
0x8e: {  	[smem:$0x3FC5] =	sst s2  }
0x8f: {  	_ = 	snop  }
0x90: {  	s2 =	sld [smem:$0x3FC9]  }
0x91: {  	s19 =	sld [smem:$0x3FC8]  }
0x92: {  	s4 =	sld [smem:$0x3FC7]  }
0x93: {  	s5 =	sld [smem:$0x3FD0];
	(tm) =	ssettm $0x1  }
0x94: {  	s6 =	sld [smem:$0x3FFB];
	_ =	sdelay $0x3  }
0x95: {  	_ =	strace s6  }
0x96: {  	s6 =	sld [smem:$0x3FFC];
	_ =	sdelay $0x3  }
0x97: {  	_ =	strace s6  }
0x98: {  	s6 =	sld [smem:$0x3FFD];
	_ =	sdelay $0x3  }
0x99: {  	_ =	strace s6  }
0x9a: {  	_ =	strace $0x8FFFFFFF  }
0x9b: {  	s20 =	sld [smem:$0x3FDB];
	_ =	sdelay $0x1  }
0x9c: {  	s7 =	simm.s32 $_scs_section_size  }
0x9d: {  	s8 =	simm.s32 $_size__tile_overlayer_lowered;
	s9 =	simm.s32 $_tile_overlayer_lowered  }
0x9e: {  	s23 =	simm.s32 $0x1BFF;
	s22 =	sshll.u32 s9, $0x1;
	s6 =	sadd.s32 s7, s20  }
0x9f: {  	s10 =	simm.s32 $0x0;
	s21 =	sshll.u32 s8, $0x1;
	s8 =	sadd.s32 s22, s6  }
0xa0: {  	[timem:s10], [sflag:s23] =	dma.local [hbm:s8], s21  }
0xa1: {  	_ =	swait.ge [sflag:s23], s21  }
0xa2: {  	s7 =	ssub.s32 $0x0, s21;
	[sflag:s23] =	ssyncset.done $0x0  }
0xa3: {  	[sflag:s23] =	ssyncadd.s32 s7;
	_ =	sdelay $0x1  }
0xa4: {  	s24 =	simm.s32 $0x1B8B  }
0xa5: {  	_ =	swait.ge [sflag:s24], $0x1  }
0xa6: {  	[sflag:s24] =	ssyncset.done $0x0  }
0xa7: {  	s25 =	simm.s32 $0x1B8E;
	[sflag:s24] =	ssyncadd.s32 $0xFFFFFFFF  }
0xa8: {  	s26 =	simm.s32 $execute0_lowered;
	[smem:$0x3FD2] =	sst s25  }
0xa9: {  	s7 =	sshll.u32 s26, $0x1;
	_ =	strace $0x80000046;
	[dreg:$0x1] =	wrdreg $0xFFFFFFFF  }
0xaa: {  	s28 =	simm.s32 $_size_execute0_lowered;
	s6 =	sadd.s32 s6, s7;
	[dreg:$0x0] =	wrdreg $0x0  }
0xab: {  	s7 =	sshll.u32 s28, $0x1;
	[dreg:$0x2] =	wrdreg s6  }
0xac: {  	[dreg:$0x3] =	wrdreg s7  }
0xad: {  	[dreg:$0x4] =	wrdreg $0xC0  }
0xae: {  	_ =	task [dreg:s10], $0x5FFFF  }
0xaf: {  	[dreg:$0x1] =	wrdreg $0xFFFFFFFF  }
0xb0: {  	[dreg:$0x0] =	wrdreg $0x60  }
0xb1: {  	[dreg:$0x2] =	wrdreg s2  }
0xb2: {  	[dreg:$0x3] =	wrdreg s19  }
0xb3: {  	[dreg:$0x4] =	wrdreg s4  }
0xb4: {  	[dreg:$0x5] =	wrdreg s5  }
0xb5: {  	[dreg:$0x6] =	wrdreg $0x9  }
0xb6: {  	_ =	task.clear_ibuf [dreg:s10], $0x7FFFF;
	_ =	strace $0x90000046  }
0xb7: {  	s29 =	simm.s32 $0x9;
	_ =	strace $0x80000048  }
0xb8: {  	_ =	swait.ge [sflag:s29], $0x1  }
0xb9: {  	[sflag:s29] =	ssyncadd.s32 $0xFFFFFFFF  }
0xba: {  	_ =	strace $0x90000048  }
0xbb: {  	_ =	sfence  }
0xbc: {  	s30 =	sld [smem:$0x0];
	_ =	sdelay $0x2  }
0xbd: {  	s31 =	sshll.u32 s1, $0xD;
	s1 =	sshrl.u32 s1, $0x2  }
0xbe: {  	s3 =	sand.u32 $0x4000, s31;
	s1 =	sadd.s32 s1, s30  }
0xbf: {  	s0 =	sor.u32 s3, s0;
	s1 =	sshll.u32 s1, $0x11  }
0xc0: {  	s0 =	sor.u32 s1, s0  }
0xc1: {  	s0 =	sadd.s32 $0x8F2B, s0  }
0xc2: {  	[sflag:s0] =	ssyncadd.remote.s32 $0x1  }
0xc3: {  	_ =	sfence.sel $0xFFFF  }
0xc4: {  	[dreg:$0x0] =	wrdreg $0xFFFFFFFF;
	(pc) =	sbr.abs _section_cstart, $3  }
0xc5: {  	[dreg:$0x1] =	wrdreg $0xFFFFFFFF  }
0xc6: {  	_ =	task.clear_ibuf [dreg:s10], $0x2FFFF;
	_ =	strace $0x9FFFFFFF  }
0xc7: {  	(tm) =	ssettm $0x7FFFFFFF  }
tec
execute0_lowered:
.L_overlay_start_1:
0x0: {  	(tag) =	ssettag $0x1  }
0x1: {  	s0 =	rddreg [dreg:$0x0]  }
0x2: {  	s4 =	rddreg [dreg:$0x1]  }
0x3: {  	s1 =	rddreg [dreg:$0x2]  }
0x4: {  	s9 =	rddreg [dreg:$0x3]  }
0x5: {  	s5 =	srdreg.scid;
	s3 =	simm.s32 $0x0;
	s2 =	stileid.u32  }
0x6: {  	s14 =	simm.s32 $0x400;
	s15 =	simm.s32 $0x1;
	s17 =	simm.s32 $0x2  }
0x7: {  	s18 =	simm.s32 $0x280;
	s19 =	simm.s32 $0x3;
	s20 =	simm.s32 $0x300  }
0x8: {  	s21 =	simm.s32 $0x4;
	s22 =	simm.s32 $0x380;
	s23 =	simm.s32 $0x9  }
0x9: {  	s28 =	simm.s32 $0x7;
	s29 =	simm.s32 $0x500;
	s30 =	simm.s32 $0x8  }
0xa: {  	s31 =	simm.s32 $0x580;
	s5 =	sand.u32 $0x1, s5;
	[smem:$0x7FF] =	sst s3  }
0xb: {  	s7 =	sshll.u32 s2, $0x6;
	s6 =	sshll.u32 s5, $0xA;
	s5 =	ssub.s32 $0x2, s5  }
0xc: {  	_ =	strace $0x80000047;
	s6 =	sor.u32 s7, s6;
	s24 =	sshrl.u32 s5, $0x1  }
0xd: {  	s8 =	sadd.s32 s4, s6;
	s10 =	sor.u32 $0x10, s6;
	s11 =	sor.u32 $0x20, s6  }
0xe: {  	s12 =	sor.u32 $0x30, s6;
	s13 =	ssub.s32 s5, s24;
	s5 =	sadd.s32 s0, s6  }
0xf: {  	s6 =	sadd.s32 s9, s6;
	s24 =	simm.s32 $0x5;
	s0 =	simm.s32 $0xA  }
0x10: {  	[dreg:$0x5] =	wrdreg s8;
	s25 =	sadd.s32 s4, s10;
	s26 =	sadd.s32 s4, s11  }
0x11: {  	s4 =	sadd.s32 s4, s12;
	s7 =	sadd.s32 s9, s10;
	s8 =	sadd.s32 s9, s11  }
0x12: {  	s9 =	sadd.s32 s9, s12;
	s10 =	smax.u32 s13, $0x1;
	s11 =	simm.s32 $0x80  }
0x13: {  	s12 =	simm.s32 $0x100;
	s13 =	simm.s32 $0x180;
	[dreg:$0x6] =	wrdreg s25  }
0x14: {  	[dreg:$0x7] =	wrdreg s26;
	s25 =	simm.s32 $0x6;
	s26 =	simm.s32 $0x480  }
.LBB2_1:
0x15: {  	s2 =	rddreg [dreg:$0x5]  }
0x16: {  	[tilespmem:s3], [sflag:$0x1] =	stream.linear.gather [hbm4b:s2+s3], $0x80, $0x38;
	[tilespmem:$0x600] =	vst v63  }
0x17: {  	s16 =	rddreg [dreg:$0x6]  }
0x18: {  	[tilespmem:s11], [sflag:$0x2] =	stream.linear.gather [hbm4b:s16+s3], $0x80, $0x38;
	[tilespmem:$0x600] =	vst v63  }
0x19: {  	s2 =	rddreg [dreg:$0x7]  }
0x1a: {  	[tilespmem:s12], [sflag:$0x3] =	stream.linear.gather [hbm4b:s2+s3], $0x80, $0x38;
	[tilespmem:$0x600] =	vst v63  }
0x1b: {  	_ = 	snop  }
0x1c: {  	[tilespmem:s13], [sflag:$0x4] =	stream.linear.gather [hbm4b:s4+s3], $0x80, $0x38;
	[tilespmem:$0x600] =	vst v63  }
0x1d: {  	_ = 	snop  }
0x1e: {  	[tilespmem:s14], [sflag:$0x9] =	stream.linear.gather [hbm4b:s5+s3], $0x200, $0x38;
	[tilespmem:$0x600] =	vst v63  }
0x1f: {  	_ =	swait.ge [sflag:s15], $0x80  }
0x20: {  	[sflag:s15] =	ssyncset.done $0x0  }
0x21: {  	s16 =	simm.s32 $0x200;
	[sflag:s15] =	ssyncadd.s32 $0xFFFFFF80  }
0x22: {  	[tilespmem:s16], [sflag:$0x5] =	stream.indirect.gather [hbm4b:s1+s11], $0x1, s3, s11, $0xb8;
	[tilespmem:$0x600] =	vst v63  }
0x23: {  	_ =	swait.ge [sflag:s17], $0x80  }
0x24: {  	[sflag:s17] =	ssyncset.done $0x0  }
0x25: {  	[sflag:s17] =	ssyncadd.s32 $0xFFFFFF80  }
0x26: {  	[tilespmem:s18], [sflag:$0x6] =	stream.indirect.gather [hbm4b:s1+s11], $0x1, s11, s11, $0xb8;
	[tilespmem:$0x600] =	vst v63  }
0x27: {  	_ =	swait.ge [sflag:s19], $0x80  }
0x28: {  	[sflag:s19] =	ssyncset.done $0x0  }
0x29: {  	[sflag:s19] =	ssyncadd.s32 $0xFFFFFF80  }
0x2a: {  	[tilespmem:s20], [sflag:$0x7] =	stream.indirect.gather [hbm4b:s1+s11], $0x1, s12, s11, $0xb8;
	[tilespmem:$0x600] =	vst v63  }
0x2b: {  	_ =	swait.ge [sflag:s21], $0x80  }
0x2c: {  	[sflag:s21] =	ssyncset.done $0x0  }
0x2d: {  	[sflag:s21] =	ssyncadd.s32 $0xFFFFFF80  }
0x2e: {  	[tilespmem:s22], [sflag:$0x8] =	stream.indirect.gather [hbm4b:s1+s11], $0x1, s13, s11, $0xb8;
	[tilespmem:$0x600] =	vst v63  }
0x2f: {  	_ =	swait.ge [sflag:s23], $0x200  }
0x30: {  	[sflag:s23] =	ssyncset.done $0x0  }
0x31: {  	[sflag:s23] =	ssyncadd.s32 $0xFFFFFE00  }
0x32: {  	_ =	swait.ge [sflag:s24], $0x80  }
0x33: {  	[sflag:s24] =	ssyncset.done $0x0  }
0x34: {  	[sflag:s24] =	ssyncadd.s32 $0xFFFFFF80  }
0x35: {  	v0 =	vld [tilespmem:$0x400]  }
0x36: {  	v1 =	vld [tilespmem:$0x200]  }
0x37: {  	v2 =	vld [tilespmem:$0x410]  }
0x38: {  	v3 =	vld [tilespmem:$0x210]  }
0x39: {  	v4 =	vld [tilespmem:$0x420]  }
0x3a: {  	v5 =	vld [tilespmem:$0x220]  }
0x3b: {  	v6 =	vld [tilespmem:$0x430]  }
0x3c: {  	v7 =	vld [tilespmem:$0x230]  }
0x3d: {  	v8 =	vld [tilespmem:$0x440]  }
0x3e: {  	v9 =	vld [tilespmem:$0x240]  }
0x3f: {  	v10 =	vld [tilespmem:$0x450]  }
0x40: {  	v11 =	vld [tilespmem:$0x250]  }
0x41: {  	v12 =	vld [tilespmem:$0x460]  }
0x42: {  	v40 =	vld [tilespmem:$0x260];
	v0 =	vmul.f32 v1, v0  }
0x43: {  	v41 =	vld [tilespmem:$0x470];
	v2 =	vmul.f32 v3, v2  }
0x44: {  	v43 =	vld [tilespmem:$0x270];
	v42 =	vmul.f32 v5, v4;
	[tilespmem:$0x400] =	vst v0  }
0x45: {  	v44 =	vmul.f32 v7, v6;
	[tilespmem:$0x410] =	vst v2  }
0x46: {  	v45 =	vmul.f32 v9, v8;
	[tilespmem:$0x420] =	vst v42  }
0x47: {  	v46 =	vmul.f32 v11, v10;
	[tilespmem:$0x430] =	vst v44  }
0x48: {  	v47 =	vmul.f32 v40, v12;
	[tilespmem:$0x440] =	vst v45  }
0x49: {  	v48 =	vmul.f32 v43, v41;
	[tilespmem:$0x450] =	vst v46  }
0x4a: {  	[tilespmem:$0x460] =	vst v47  }
0x4b: {  	[tilespmem:$0x470] =	vst v48  }
0x4c: {  	[hbm4b:s6+s3] =	stream.linear.scatter [tilespmem:s14], [sflag:$0xA], $0x80, $0x38;
	[tilespmem:$0x600] =	vst v63  }
0x4d: {  	_ =	swait.ge [sflag:s25], $0x80  }
0x4e: {  	[sflag:s25] =	ssyncset.done $0x0  }
0x4f: {  	[sflag:s25] =	ssyncadd.s32 $0xFFFFFF80  }
0x50: {  	v49 =	vld [tilespmem:$0x480]  }
0x51: {  	v50 =	vld [tilespmem:$0x280]  }
0x52: {  	v51 =	vld [tilespmem:$0x490]  }
0x53: {  	v52 =	vld [tilespmem:$0x290]  }
0x54: {  	v53 =	vld [tilespmem:$0x4A0]  }
0x55: {  	v54 =	vld [tilespmem:$0x2A0]  }
0x56: {  	v55 =	vld [tilespmem:$0x4B0]  }
0x57: {  	v56 =	vld [tilespmem:$0x2B0]  }
0x58: {  	v57 =	vld [tilespmem:$0x4C0]  }
0x59: {  	v58 =	vld [tilespmem:$0x2C0]  }
0x5a: {  	v59 =	vld [tilespmem:$0x4D0]  }
0x5b: {  	v60 =	vld [tilespmem:$0x2D0]  }
0x5c: {  	v61 =	vld [tilespmem:$0x4E0]  }
0x5d: {  	v62 =	vld [tilespmem:$0x2E0];
	v0 =	vmul.f32 v50, v49  }
0x5e: {  	v63 =	vld [tilespmem:$0x4F0];
	v2 =	vmul.f32 v52, v51  }
0x5f: {  	v14 =	vld [tilespmem:$0x2F0];
	v13 =	vmul.f32 v54, v53;
	[tilespmem:$0x480] =	vst v0  }
0x60: {  	v15 =	vmul.f32 v56, v55;
	[tilespmem:$0x490] =	vst v2  }
0x61: {  	v16 =	vmul.f32 v58, v57;
	[tilespmem:$0x4A0] =	vst v13  }
0x62: {  	v17 =	vmul.f32 v60, v59;
	[tilespmem:$0x4B0] =	vst v15  }
0x63: {  	v18 =	vmul.f32 v62, v61;
	[tilespmem:$0x4C0] =	vst v16  }
0x64: {  	v19 =	vmul.f32 v14, v63;
	[tilespmem:$0x4D0] =	vst v17  }
0x65: {  	[tilespmem:$0x4E0] =	vst v18  }
0x66: {  	[tilespmem:$0x4F0] =	vst v19  }
0x67: {  	[hbm4b:s7+s3] =	stream.linear.scatter [tilespmem:s26], [sflag:$0xA], $0x80, $0x38;
	[tilespmem:$0x600] =	vst v63  }
0x68: {  	_ =	swait.ge [sflag:s28], $0x80  }
0x69: {  	[sflag:s28] =	ssyncset.done $0x0  }
0x6a: {  	[sflag:s28] =	ssyncadd.s32 $0xFFFFFF80  }
0x6b: {  	v20 =	vld [tilespmem:$0x500]  }
0x6c: {  	v21 =	vld [tilespmem:$0x300]  }
0x6d: {  	v22 =	vld [tilespmem:$0x510]  }
0x6e: {  	v23 =	vld [tilespmem:$0x310]  }
0x6f: {  	v24 =	vld [tilespmem:$0x520]  }
0x70: {  	v25 =	vld [tilespmem:$0x320]  }
0x71: {  	v26 =	vld [tilespmem:$0x530]  }
0x72: {  	v27 =	vld [tilespmem:$0x330]  }
0x73: {  	v28 =	vld [tilespmem:$0x540]  }
0x74: {  	v29 =	vld [tilespmem:$0x340]  }
0x75: {  	v30 =	vld [tilespmem:$0x550]  }
0x76: {  	v31 =	vld [tilespmem:$0x350]  }
0x77: {  	v32 =	vld [tilespmem:$0x560]  }
0x78: {  	v33 =	vld [tilespmem:$0x360];
	v0 =	vmul.f32 v21, v20  }
0x79: {  	v34 =	vld [tilespmem:$0x570];
	v2 =	vmul.f32 v23, v22  }
0x7a: {  	v36 =	vld [tilespmem:$0x370];
	v35 =	vmul.f32 v25, v24;
	[tilespmem:$0x500] =	vst v0  }
0x7b: {  	v37 =	vmul.f32 v27, v26;
	[tilespmem:$0x510] =	vst v2  }
0x7c: {  	v38 =	vmul.f32 v29, v28;
	[tilespmem:$0x520] =	vst v35  }
0x7d: {  	v39 =	vmul.f32 v31, v30;
	[tilespmem:$0x530] =	vst v37  }
0x7e: {  	v40 =	vmul.f32 v33, v32;
	[tilespmem:$0x540] =	vst v38  }
0x7f: {  	v41 =	vmul.f32 v36, v34;
	[tilespmem:$0x550] =	vst v39  }
0x80: {  	[tilespmem:$0x560] =	vst v40  }
0x81: {  	[tilespmem:$0x570] =	vst v41  }
0x82: {  	[hbm4b:s8+s3] =	stream.linear.scatter [tilespmem:s29], [sflag:$0xA], $0x80, $0x38;
	[tilespmem:$0x600] =	vst v63  }
0x83: {  	_ =	swait.ge [sflag:s30], $0x80  }
0x84: {  	[sflag:s30] =	ssyncset.done $0x0  }
0x85: {  	[sflag:s30] =	ssyncadd.s32 $0xFFFFFF80  }
0x86: {  	v42 =	vld [tilespmem:$0x580]  }
0x87: {  	v43 =	vld [tilespmem:$0x380]  }
0x88: {  	v44 =	vld [tilespmem:$0x590]  }
0x89: {  	v45 =	vld [tilespmem:$0x390]  }
0x8a: {  	v46 =	vld [tilespmem:$0x5A0]  }
0x8b: {  	v47 =	vld [tilespmem:$0x3A0]  }
0x8c: {  	v48 =	vld [tilespmem:$0x5B0]  }
0x8d: {  	v49 =	vld [tilespmem:$0x3B0]  }
0x8e: {  	v50 =	vld [tilespmem:$0x5C0]  }
0x8f: {  	v51 =	vld [tilespmem:$0x3C0]  }
0x90: {  	v52 =	vld [tilespmem:$0x5D0]  }
0x91: {  	v53 =	vld [tilespmem:$0x3D0]  }
0x92: {  	v54 =	vld [tilespmem:$0x5E0]  }
0x93: {  	v55 =	vld [tilespmem:$0x3E0];
	v0 =	vmul.f32 v43, v42  }
0x94: {  	v56 =	vld [tilespmem:$0x5F0];
	v2 =	vmul.f32 v45, v44  }
0x95: {  	v58 =	vld [tilespmem:$0x3F0];
	v57 =	vmul.f32 v47, v46;
	[tilespmem:$0x580] =	vst v0  }
0x96: {  	v59 =	vmul.f32 v49, v48;
	[tilespmem:$0x590] =	vst v2  }
0x97: {  	v60 =	vmul.f32 v51, v50;
	[tilespmem:$0x5A0] =	vst v57  }
0x98: {  	v61 =	vmul.f32 v53, v52;
	[tilespmem:$0x5B0] =	vst v59  }
0x99: {  	v62 =	vmul.f32 v55, v54;
	[tilespmem:$0x5C0] =	vst v60  }
0x9a: {  	v63 =	vmul.f32 v58, v56;
	[tilespmem:$0x5D0] =	vst v61  }
0x9b: {  	[tilespmem:$0x5E0] =	vst v62  }
0x9c: {  	[tilespmem:$0x5F0] =	vst v63  }
0x9d: {  	[hbm4b:s9+s3] =	stream.linear.scatter [tilespmem:s31], [sflag:$0xA], $0x80, $0x38;
	[tilespmem:$0x600] =	vst v63  }
0x9e: {  	_ =	swait.ge [sflag:s0], $0x80  }
0x9f: {  	[sflag:s0] =	ssyncset.done $0x0  }
0xa0: {  	[sflag:s0] =	ssyncadd.s32 $0xFFFFFF80  }
0xa1: {  	_ =	swait.ge [sflag:s0], $0x80  }
0xa2: {  	[sflag:s0] =	ssyncset.done $0x0  }
0xa3: {  	[sflag:s0] =	ssyncadd.s32 $0xFFFFFF80  }
0xa4: {  	p0 =	sne.s32 s10, $0x1;
	_ =	swait.ge [sflag:s0], $0x80  }
.Ltmp0:
0xa5: {  	[sflag:s0] =	ssyncset.done $0x0;
	(pc) =	sbr.rel @p0 .LBB2_1-.Ltmp0, $4  }
0xa6: {  	[sflag:s0] =	ssyncadd.s32 $0xFFFFFF80  }
0xa7: {  	_ =	swait.ge [sflag:s0], $0x80  }
0xa8: {  	[sflag:s0] =	ssyncset.done $0x0  }
0xa9: {  	s10 =	sadd.s32 $0xFFFFFFFF, s10;
	[sflag:s0] =	ssyncadd.s32 $0xFFFFFF80  }
0xaa: {  	_ =	sfence.sel $0x180000  }
0xab: {  	[bflag:$0x0] =	sbarrier.arrive $0xFFFF  }
0xac: {  	_ =	strace $0x90000047  }
0xad: {  	s0 =	stileid.u32;
	[bflag:$0x2] =	sbarrier.arrive $0xFFFF  }
0xae: {  	p0 =	sne.s32 s0, $0x0;
	s0 =	rddreg [dreg:$0x4]  }
0xaf: {  	s0 =	sadd.s32 @!p0 $0x100000, s0  }
0xb0: {  	[sflag:s0] =	ssyncadd.tile.s32 @!p0 $0x1;
	_ =	shalt  }
.Lfunc_end2:
_tile_overlayer_lowered:
.L_overlay_start_2:
0xb1: {  	(tag) =	ssettag $0x2  }
0xb2: {  	s0 =	rddreg [dreg:$0x0];
	s2 =	stileid.u32  }
0xb3: {  	s1 =	rddreg [dreg:$0x1];
	p0 =	sne.s32 s2, $0x0  }
0xb4: {  	s3 =	rddreg [dreg:$0x2];
	[bflag:$0x3] =	sbarrier.arrive $0xFFFF;
	s2 =	simm.s32 @!p0 $0x1C0B  }
0xb5: {  	[timem:s3], [sflag:s2] =	dma.local @!p0 [hbm:s0], s1  }
0xb6: {  	s0 =	simm.s32 @!p0 $0xB  }
0xb7: {  	_ =	swait.ge @!p0 [sflag:s0], s1  }
0xb8: {  	s1 =	ssub.s32 @!p0 $0x0, s1;
	[sflag:s0] =	ssyncset.done @!p0 $0x0  }
0xb9: {  	[sflag:s0] =	ssyncadd.s32 @!p0 s1  }
0xba: {  	[bflag:$0x3] =	sbarrier.arrive $0xFFFF  }
0xbb: {  	_ =	shalt  }

</sc_bundles>
